<compile_context>
chip_gen: v7x
topology: tpu7x:2x2x1
jax: 0.10.2.dev20260603
libtpu: 0.0.44.dev20260713+nightly
codegen_flags: <defaults>
</compile_context>

<pallas_src>
import functools

import jax
import jax.numpy as jnp
from jax import lax
from jax.experimental import pallas as pl
from jax.experimental.pallas import tpu as pltpu
from jax.experimental.pallas import tpu_sc as plsc

_NC = 1
_NS = 16
_NW = _NC * _NS
_L = 16

_B = 64
_N = 2048
_D0 = 256
_D1 = 64
_BPW = _B // _NW


def _sc_body(scores_hbm, attr0_hbm, attr1_hbm, out0_hbm, out1_hbm,
             scores_v, rows0_v, rows1_v, col1_v, sem0, sem1):
  wid = lax.axis_index("s") * _NC + lax.axis_index("c")
  base = wid * _BPW

  pltpu.sync_copy(scores_hbm.at[pl.ds(base * _N, _BPW * _N)], scores_v)

  lane = lax.broadcasted_iota(jnp.int32, (_L,), 0)

  copies = []
  offs = []

  def argmax_pair(bs):
    def body(i, carry):
      pos = i * _L + lane
      out = []
      for k, b in enumerate(bs):
        best, bidx = carry[2 * k], carry[2 * k + 1]
        v = scores_v[pl.ds(b * _N + i * _L, _L)]
        take = v > best
        out.append(jnp.where(take, v, best))
        out.append(jnp.where(take, pos, bidx))
      return tuple(out)

    init = (jnp.full((_L,), -jnp.inf, jnp.float32),
            jnp.zeros((_L,), jnp.int32)) * len(bs)
    return lax.fori_loop(0, _N // _L, body, init, unroll=8)

  def issue_gathers(bs, res):
    for k, b in enumerate(bs):
      best, bidx = res[2 * k], res[2 * k + 1]
      sv, _ = plsc.sort_key_val(best, bidx, descending=True)
      m = sv[0]
      cand = jnp.where(best == m, bidx, jnp.int32(_N))
      ci, _ = plsc.sort_key_val(cand, cand)
      idx = ci[0]
      bg = base + b
      off = (idx // 128) * 128
      offs.append(idx - off)
      copies.append(pltpu.async_copy(
          attr0_hbm.at[bg * _N + idx], rows0_v.at[b], sem0))
      copies.append(pltpu.async_copy(
          attr1_hbm.at[bg, :, pl.ds(off, 128)], col1_v.at[b], sem1))

  half = _BPW // 2
  res = argmax_pair(tuple(range(half)))
  issue_gathers(tuple(range(half)), res)
  res = argmax_pair(tuple(range(half, _BPW)))
  issue_gathers(tuple(range(half, _BPW)), res)
  for cp in copies:
    cp.wait()
  for b in range(_BPW):
    sel = jnp.full((_L,), offs[b], jnp.int32)
    for j in range(_D1 // _L):
      v = plsc.load_gather(col1_v, [jnp.full((_L,), b, jnp.int32),
                                    j * _L + lane, sel])
      rows1_v[b, pl.ds(j * _L, _L)] = v
  c0 = pltpu.async_copy(rows0_v, out0_hbm.at[pl.ds(base, _BPW)], sem0)
  c1 = pltpu.async_copy(rows1_v, out1_hbm.at[pl.ds(base, _BPW)], sem1)
  c0.wait()
  c1.wait()


@jax.jit
def kernel(scores, attr0, attr1):
  scores1 = scores.reshape(_B * _N)
  a0 = attr0.reshape(_B * _N, _D0)
  a1t = attr1.transpose(0, 2, 1)

  mesh = plsc.VectorSubcoreMesh(core_axis_name="c", subcore_axis_name="s",
                                num_cores=1)
  run = pl.kernel(
      _sc_body,
      out_type=(jax.ShapeDtypeStruct((_B, _D0), jnp.float32),
                jax.ShapeDtypeStruct((_B, _D1), jnp.float32)),
      mesh=mesh,
      scratch_types=[
          pltpu.VMEM((_BPW * _N,), jnp.float32),
          pltpu.VMEM((_BPW, _D0), jnp.float32),
          pltpu.VMEM((_BPW, _D1), jnp.float32),
          pltpu.VMEM((_BPW, _D1, 128), jnp.float32),
          pltpu.SemaphoreType.DMA,
          pltpu.SemaphoreType.DMA,
      ],
      compiler_params=pltpu.CompilerParams(needs_layout_passes=False),
  )
  return run(scores1, a0, a1t)

# --- scband reference (transcript-rebuilt; emitter-appended) ---
"""Pipeline reference for scband-gather-best-examples-35416300323282 (READ-ONLY COPY).

The authoritative reference and input builder live on the scoring server;
editing this copy changes nothing except your own understanding.
"""

import jax, jax.numpy as jnp
import numpy as np

ABS_AXIS = 1  # axis=1 on rank-3 scores -> abs_axis = 1


def setup_inputs(seed: int = 0) -> dict:
    key = jax.random.key(seed)
    k1, k2, k3 = jax.random.split(key, 3)
    scores = jax.random.normal(k1, (64, 2048, 1), dtype=jnp.float32)
    attr0 = jax.random.normal(k2, (64, 2048, 256), dtype=jnp.float32)
    attr1 = jax.random.normal(k3, (64, 2048, 64), dtype=jnp.float32)
    return {"scores": scores, "attr0": attr0, "attr1": attr1}


def _gather_best(a, max_idx, abs_axis):
    # tf.gather(a, max_idx, axis=abs_axis, batch_dims=abs_axis) with
    # max_idx shape [B, 1] and a shape [B, N, ...] -> result [B, 1, ...],
    # then tf.squeeze(..., axis=abs_axis) -> [B, ...].
    idx = max_idx.reshape(max_idx.shape + (1,) * (a.ndim - max_idx.ndim))
    g = jnp.take_along_axis(a, idx, axis=abs_axis)
    return jnp.squeeze(g, axis=abs_axis)


def reference(scores, attr0, attr1):
    # max_idx = tf.argmax(scores, axis=abs_axis): [B, N, 1] -> [B, 1]
    max_idx = jnp.argmax(scores, axis=ABS_AXIS)
    attributes = (attr0, attr1)
    outputs = tuple(_gather_best(a, max_idx, ABS_AXIS) for a in attributes)
    # SqueezeImg layers treated as identity (definition not provided);
    # return_idxs=False so only gathered attributes are returned.
    return outputs

if __name__ == "__main__":
    import jax
    _d = setup_inputs()
    print(jax.jit(kernel)(*tuple(_d.values())))

</pallas_src>

<mosaic_0001>
#map = affine_map<(d0, d1) -> (0)>
#map1 = affine_map<(d0, d1) -> (0, 0)>
#map2 = affine_map<(d0, d1) -> (0, 0, 0)>
module attributes {stable_mosaic.version = 14 : i64} {
  func.func @_sc_body(%arg0: i32, %arg1: i32, %arg2: memref<131072xf32, #tpu.memory_space<hbm>>, %arg3: memref<131072x256xf32, #tpu.memory_space<hbm>>, %arg4: memref<64x64x2048xf32, #tpu.memory_space<hbm>>, %arg5: memref<64x256xf32, #tpu.memory_space<hbm>>, %arg6: memref<64x64xf32, #tpu.memory_space<hbm>>, %arg7: memref<8192xf32, #tpu.memory_space<vmem>>, %arg8: memref<4x256xf32, #tpu.memory_space<vmem>>, %arg9: memref<4x64xf32, #tpu.memory_space<vmem>>, %arg10: memref<4x64x128xf32, #tpu.memory_space<vmem>>, %arg11: memref<!tpu.dma_semaphore, #tpu.memory_space<semaphore_mem>>, %arg12: memref<!tpu.dma_semaphore, #tpu.memory_space<semaphore_mem>>) attributes {dimension_semantics = [#tpu.dimension_semantics<core_parallel>, #tpu.dimension_semantics<subcore_parallel>], iteration_bounds = array<i64: 1, 16>, scalar_prefetch = 0 : i64, scratch_operands = 6 : i64, tpu.core_type = #tpu.core_type<sc_vector_subcore>, window_params = [{transform_indices = #map}, {transform_indices = #map1}, {transform_indices = #map2}, {transform_indices = #map1}, {transform_indices = #map1}]} {
    %mul3A = arith.constant 1 : i32
    %mul3A_0 = arith.muli %arg1, %mul3A : i32
    %add3A = arith.addi %mul3A_0, %arg0 : i32
    %mul3A_1 = arith.constant 4 : i32
    %mul3A_2 = arith.muli %add3A, %mul3A_1 : i32
    %mul3A_3 = arith.constant 2048 : i32
    %mul3A_4 = arith.muli %mul3A_2, %mul3A_3 : i32
    "tpu.region"() ({
      %run_scoped3A = tpu.sem_alloc : memref<!tpu.dma_semaphore, #tpu.memory_space<semaphore_mem>>
      %dma_start3A_623 = tpu.memref_slice %arg2[%mul3A_4] : memref<131072xf32, #tpu.memory_space<hbm>> -> memref<8192xf32, #tpu.memory_space<hbm>>
      %dma_start3A_624 = tpu.memref_slice %arg2[%mul3A_4] : memref<131072xf32, #tpu.memory_space<hbm>> -> memref<8192xf32, #tpu.memory_space<hbm>>
      tpu.enqueue_dma source(%dma_start3A_624 : memref<8192xf32, #tpu.memory_space<hbm>>) target(%arg7 : memref<8192xf32, #tpu.memory_space<vmem>>) target_semaphore(%run_scoped3A : memref<!tpu.dma_semaphore, #tpu.memory_space<semaphore_mem>>)
      %dma_wait3A_625 = tpu.memref_slice %arg2[%mul3A_4] : memref<131072xf32, #tpu.memory_space<hbm>> -> memref<8192xf32, #tpu.memory_space<hbm>>
      %dma_wait3A_626 = tpu.memref_slice %arg2[%mul3A_4] : memref<131072xf32, #tpu.memory_space<hbm>> -> memref<8192xf32, #tpu.memory_space<hbm>>
      tpu.wait_dma2 semaphore(%run_scoped3A : memref<!tpu.dma_semaphore, #tpu.memory_space<semaphore_mem>>) src(%dma_wait3A_626 : memref<8192xf32, #tpu.memory_space<hbm>>) dst(%arg7 : memref<8192xf32, #tpu.memory_space<vmem>>)
      tpu.yield
    }) : () -> ()
    %iota3A = tpu.iota {dimensions = array<i32: 0>} : vector<16xi32>
    %broadcast_in_dim3A = arith.constant 0xFF800000 : f32
    %broadcast_in_dim3A_5 = vector.broadcast %broadcast_in_dim3A : f32 to vector<16xf32>
    %broadcast_in_dim3A_6 = arith.constant 0 : i32
    %broadcast_in_dim3A_7 = vector.broadcast %broadcast_in_dim3A_6 : i32 to vector<16xi32>
    %scan3A = arith.constant 0 : i32
    %scan3A_8 = arith.constant 128 : i32
    %scan3A_9 = arith.addi %scan3A, %scan3A_8 : i32
    %scan3A_10 = arith.constant 8 : i32
    %scan3A_11:4 = scf.for %scan3A_623 = %scan3A to %scan3A_9 step %scan3A_10 iter_args(%scan3A_624 = %broadcast_in_dim3A_5, %scan3A_625 = %broadcast_in_dim3A_7, %scan3A_626 = %broadcast_in_dim3A_5, %scan3A_627 = %broadcast_in_dim3A_7) -> (vector<16xf32>, vector<16xi32>, vector<16xf32>, vector<16xi32>)  : i32 {
      %mul3A_628 = arith.constant 16 : i32
      %mul3A_629 = arith.muli %scan3A_623, %mul3A_628 : i32
      %add3A_630 = vector.broadcast %mul3A_629 : i32 to vector<16xi32>
      %add3A_631 = arith.addi %add3A_630, %iota3A : vector<16xi32>
      %mul3A_632 = arith.constant 16 : i32
      %mul3A_633 = arith.muli %scan3A_623, %mul3A_632 : i32
      %add3A_634 = arith.constant 0 : i32
      %add3A_635 = arith.addi %add3A_634, %mul3A_633 : i32
      %get3A = arith.index_cast %add3A_635 : i32 to index
      %get3A_636 = tpu.vector_load %arg7[%get3A] {strides = array<i32>} : memref<8192xf32, #tpu.memory_space<vmem>>, vector<16xf32>,
      %gt3A = arith.cmpf ogt, %get3A_636, %scan3A_624 : vector<16xf32>
      %select_n3A_637 = arith.select %gt3A, %get3A_636, %scan3A_624 : vector<16xi1>, vector<16xf32>
      %select_n3A_638 = arith.select %gt3A, %add3A_631, %scan3A_625 : vector<16xi1>, vector<16xi32>
      %mul3A_639 = arith.constant 16 : i32
      %mul3A_640 = arith.muli %scan3A_623, %mul3A_639 : i32
      %add3A_641 = arith.constant 2048 : i32
      %add3A_642 = arith.addi %add3A_641, %mul3A_640 : i32
      %get3A_643 = arith.index_cast %add3A_642 : i32 to index
      %get3A_644 = tpu.vector_load %arg7[%get3A_643] {strides = array<i32>} : memref<8192xf32, #tpu.memory_space<vmem>>, vector<16xf32>,
      %gt3A_645 = arith.cmpf ogt, %get3A_644, %scan3A_626 : vector<16xf32>
      %select_n3A_646 = arith.select %gt3A_645, %get3A_644, %scan3A_626 : vector<16xi1>, vector<16xf32>
      %select_n3A_647 = arith.select %gt3A_645, %add3A_631, %scan3A_627 : vector<16xi1>, vector<16xi32>
      %scan3A_648 = arith.constant 1 : i32
      %scan3A_649 = arith.addi %scan3A_623, %scan3A_648 : i32
      %mul3A_650 = arith.constant 16 : i32
      %mul3A_651 = arith.muli %scan3A_649, %mul3A_650 : i32
      %add3A_652 = vector.broadcast %mul3A_651 : i32 to vector<16xi32>
      %add3A_653 = arith.addi %add3A_652, %iota3A : vector<16xi32>
      %mul3A_654 = arith.constant 16 : i32
      %mul3A_655 = arith.muli %scan3A_649, %mul3A_654 : i32
      %add3A_656 = arith.constant 0 : i32
      %add3A_657 = arith.addi %add3A_656, %mul3A_655 : i32
      %get3A_658 = arith.index_cast %add3A_657 : i32 to index
      %get3A_659 = tpu.vector_load %arg7[%get3A_658] {strides = array<i32>} : memref<8192xf32, #tpu.memory_space<vmem>>, vector<16xf32>,
      %gt3A_660 = arith.cmpf ogt, %get3A_659, %select_n3A_637 : vector<16xf32>
      %select_n3A_661 = arith.select %gt3A_660, %get3A_659, %select_n3A_637 : vector<16xi1>, vector<16xf32>
      %select_n3A_662 = arith.select %gt3A_660, %add3A_653, %select_n3A_638 : vector<16xi1>, vector<16xi32>
      %mul3A_663 = arith.constant 16 : i32
      %mul3A_664 = arith.muli %scan3A_649, %mul3A_663 : i32
      %add3A_665 = arith.constant 2048 : i32
      %add3A_666 = arith.addi %add3A_665, %mul3A_664 : i32
      %get3A_667 = arith.index_cast %add3A_666 : i32 to index
      %get3A_668 = tpu.vector_load %arg7[%get3A_667] {strides = array<i32>} : memref<8192xf32, #tpu.memory_space<vmem>>, vector<16xf32>,
      %gt3A_669 = arith.cmpf ogt, %get3A_668, %select_n3A_646 : vector<16xf32>
      %select_n3A_670 = arith.select %gt3A_669, %get3A_668, %select_n3A_646 : vector<16xi1>, vector<16xf32>
      %select_n3A_671 = arith.select %gt3A_669, %add3A_653, %select_n3A_647 : vector<16xi1>, vector<16xi32>
      %scan3A_672 = arith.constant 2 : i32
      %scan3A_673 = arith.addi %scan3A_623, %scan3A_672 : i32
      %mul3A_674 = arith.constant 16 : i32
      %mul3A_675 = arith.muli %scan3A_673, %mul3A_674 : i32
      %add3A_676 = vector.broadcast %mul3A_675 : i32 to vector<16xi32>
      %add3A_677 = arith.addi %add3A_676, %iota3A : vector<16xi32>
      %mul3A_678 = arith.constant 16 : i32
      %mul3A_679 = arith.muli %scan3A_673, %mul3A_678 : i32
      %add3A_680 = arith.constant 0 : i32
      %add3A_681 = arith.addi %add3A_680, %mul3A_679 : i32
      %get3A_682 = arith.index_cast %add3A_681 : i32 to index
      %get3A_683 = tpu.vector_load %arg7[%get3A_682] {strides = array<i32>} : memref<8192xf32, #tpu.memory_space<vmem>>, vector<16xf32>,
      %gt3A_684 = arith.cmpf ogt, %get3A_683, %select_n3A_661 : vector<16xf32>
      %select_n3A_685 = arith.select %gt3A_684, %get3A_683, %select_n3A_661 : vector<16xi1>, vector<16xf32>
      %select_n3A_686 = arith.select %gt3A_684, %add3A_677, %select_n3A_662 : vector<16xi1>, vector<16xi32>
      %mul3A_687 = arith.constant 16 : i32
      %mul3A_688 = arith.muli %scan3A_673, %mul3A_687 : i32
      %add3A_689 = arith.constant 2048 : i32
      %add3A_690 = arith.addi %add3A_689, %mul3A_688 : i32
      %get3A_691 = arith.index_cast %add3A_690 : i32 to index
      %get3A_692 = tpu.vector_load %arg7[%get3A_691] {strides = array<i32>} : memref<8192xf32, #tpu.memory_space<vmem>>, vector<16xf32>,
      %gt3A_693 = arith.cmpf ogt, %get3A_692, %select_n3A_670 : vector<16xf32>
      %select_n3A_694 = arith.select %gt3A_693, %get3A_692, %select_n3A_670 : vector<16xi1>, vector<16xf32>
      %select_n3A_695 = arith.select %gt3A_693, %add3A_677, %select_n3A_671 : vector<16xi1>, vector<16xi32>
      %scan3A_696 = arith.constant 3 : i32
      %scan3A_697 = arith.addi %scan3A_623, %scan3A_696 : i32
      %mul3A_698 = arith.constant 16 : i32
      %mul3A_699 = arith.muli %scan3A_697, %mul3A_698 : i32
      %add3A_700 = vector.broadcast %mul3A_699 : i32 to vector<16xi32>
      %add3A_701 = arith.addi %add3A_700, %iota3A : vector<16xi32>
      %mul3A_702 = arith.constant 16 : i32
      %mul3A_703 = arith.muli %scan3A_697, %mul3A_702 : i32
      %add3A_704 = arith.constant 0 : i32
      %add3A_705 = arith.addi %add3A_704, %mul3A_703 : i32
      %get3A_706 = arith.index_cast %add3A_705 : i32 to index
      %get3A_707 = tpu.vector_load %arg7[%get3A_706] {strides = array<i32>} : memref<8192xf32, #tpu.memory_space<vmem>>, vector<16xf32>,
      %gt3A_708 = arith.cmpf ogt, %get3A_707, %select_n3A_685 : vector<16xf32>
      %select_n3A_709 = arith.select %gt3A_708, %get3A_707, %select_n3A_685 : vector<16xi1>, vector<16xf32>
      %select_n3A_710 = arith.select %gt3A_708, %add3A_701, %select_n3A_686 : vector<16xi1>, vector<16xi32>
      %mul3A_711 = arith.constant 16 : i32
      %mul3A_712 = arith.muli %scan3A_697, %mul3A_711 : i32
      %add3A_713 = arith.constant 2048 : i32
      %add3A_714 = arith.addi %add3A_713, %mul3A_712 : i32
      %get3A_715 = arith.index_cast %add3A_714 : i32 to index
      %get3A_716 = tpu.vector_load %arg7[%get3A_715] {strides = array<i32>} : memref<8192xf32, #tpu.memory_space<vmem>>, vector<16xf32>,
      %gt3A_717 = arith.cmpf ogt, %get3A_716, %select_n3A_694 : vector<16xf32>
      %select_n3A_718 = arith.select %gt3A_717, %get3A_716, %select_n3A_694 : vector<16xi1>, vector<16xf32>
      %select_n3A_719 = arith.select %gt3A_717, %add3A_701, %select_n3A_695 : vector<16xi1>, vector<16xi32>
      %scan3A_720 = arith.constant 4 : i32
      %scan3A_721 = arith.addi %scan3A_623, %scan3A_720 : i32
      %mul3A_722 = arith.constant 16 : i32
      %mul3A_723 = arith.muli %scan3A_721, %mul3A_722 : i32
      %add3A_724 = vector.broadcast %mul3A_723 : i32 to vector<16xi32>
      %add3A_725 = arith.addi %add3A_724, %iota3A : vector<16xi32>
      %mul3A_726 = arith.constant 16 : i32
      %mul3A_727 = arith.muli %scan3A_721, %mul3A_726 : i32
      %add3A_728 = arith.constant 0 : i32
      %add3A_729 = arith.addi %add3A_728, %mul3A_727 : i32
      %get3A_730 = arith.index_cast %add3A_729 : i32 to index
      %get3A_731 = tpu.vector_load %arg7[%get3A_730] {strides = array<i32>} : memref<8192xf32, #tpu.memory_space<vmem>>, vector<16xf32>,
      %gt3A_732 = arith.cmpf ogt, %get3A_731, %select_n3A_709 : vector<16xf32>
      %select_n3A_733 = arith.select %gt3A_732, %get3A_731, %select_n3A_709 : vector<16xi1>, vector<16xf32>
      %select_n3A_734 = arith.select %gt3A_732, %add3A_725, %select_n3A_710 : vector<16xi1>, vector<16xi32>
      %mul3A_735 = arith.constant 16 : i32
      %mul3A_736 = arith.muli %scan3A_721, %mul3A_735 : i32
      %add3A_737 = arith.constant 2048 : i32
      %add3A_738 = arith.addi %add3A_737, %mul3A_736 : i32
      %get3A_739 = arith.index_cast %add3A_738 : i32 to index
      %get3A_740 = tpu.vector_load %arg7[%get3A_739] {strides = array<i32>} : memref<8192xf32, #tpu.memory_space<vmem>>, vector<16xf32>,
      %gt3A_741 = arith.cmpf ogt, %get3A_740, %select_n3A_718 : vector<16xf32>
      %select_n3A_742 = arith.select %gt3A_741, %get3A_740, %select_n3A_718 : vector<16xi1>, vector<16xf32>
      %select_n3A_743 = arith.select %gt3A_741, %add3A_725, %select_n3A_719 : vector<16xi1>, vector<16xi32>
      %scan3A_744 = arith.constant 5 : i32
      %scan3A_745 = arith.addi %scan3A_623, %scan3A_744 : i32
      %mul3A_746 = arith.constant 16 : i32
      %mul3A_747 = arith.muli %scan3A_745, %mul3A_746 : i32
      %add3A_748 = vector.broadcast %mul3A_747 : i32 to vector<16xi32>
      %add3A_749 = arith.addi %add3A_748, %iota3A : vector<16xi32>
      %mul3A_750 = arith.constant 16 : i32
      %mul3A_751 = arith.muli %scan3A_745, %mul3A_750 : i32
      %add3A_752 = arith.constant 0 : i32
      %add3A_753 = arith.addi %add3A_752, %mul3A_751 : i32
      %get3A_754 = arith.index_cast %add3A_753 : i32 to index
      %get3A_755 = tpu.vector_load %arg7[%get3A_754] {strides = array<i32>} : memref<8192xf32, #tpu.memory_space<vmem>>, vector<16xf32>,
      %gt3A_756 = arith.cmpf ogt, %get3A_755, %select_n3A_733 : vector<16xf32>
      %select_n3A_757 = arith.select %gt3A_756, %get3A_755, %select_n3A_733 : vector<16xi1>, vector<16xf32>
      %select_n3A_758 = arith.select %gt3A_756, %add3A_749, %select_n3A_734 : vector<16xi1>, vector<16xi32>
      %mul3A_759 = arith.constant 16 : i32
      %mul3A_760 = arith.muli %scan3A_745, %mul3A_759 : i32
      %add3A_761 = arith.constant 2048 : i32
      %add3A_762 = arith.addi %add3A_761, %mul3A_760 : i32
      %get3A_763 = arith.index_cast %add3A_762 : i32 to index
      %get3A_764 = tpu.vector_load %arg7[%get3A_763] {strides = array<i32>} : memref<8192xf32, #tpu.memory_space<vmem>>, vector<16xf32>,
      %gt3A_765 = arith.cmpf ogt, %get3A_764, %select_n3A_742 : vector<16xf32>
      %select_n3A_766 = arith.select %gt3A_765, %get3A_764, %select_n3A_742 : vector<16xi1>, vector<16xf32>
      %select_n3A_767 = arith.select %gt3A_765, %add3A_749, %select_n3A_743 : vector<16xi1>, vector<16xi32>
      %scan3A_768 = arith.constant 6 : i32
      %scan3A_769 = arith.addi %scan3A_623, %scan3A_768 : i32
      %mul3A_770 = arith.constant 16 : i32
      %mul3A_771 = arith.muli %scan3A_769, %mul3A_770 : i32
      %add3A_772 = vector.broadcast %mul3A_771 : i32 to vector<16xi32>
      %add3A_773 = arith.addi %add3A_772, %iota3A : vector<16xi32>
      %mul3A_774 = arith.constant 16 : i32
      %mul3A_775 = arith.muli %scan3A_769, %mul3A_774 : i32
      %add3A_776 = arith.constant 0 : i32
      %add3A_777 = arith.addi %add3A_776, %mul3A_775 : i32
      %get3A_778 = arith.index_cast %add3A_777 : i32 to index
      %get3A_779 = tpu.vector_load %arg7[%get3A_778] {strides = array<i32>} : memref<8192xf32, #tpu.memory_space<vmem>>, vector<16xf32>,
      %gt3A_780 = arith.cmpf ogt, %get3A_779, %select_n3A_757 : vector<16xf32>
      %select_n3A_781 = arith.select %gt3A_780, %get3A_779, %select_n3A_757 : vector<16xi1>, vector<16xf32>
      %select_n3A_782 = arith.select %gt3A_780, %add3A_773, %select_n3A_758 : vector<16xi1>, vector<16xi32>
      %mul3A_783 = arith.constant 16 : i32
      %mul3A_784 = arith.muli %scan3A_769, %mul3A_783 : i32
      %add3A_785 = arith.constant 2048 : i32
      %add3A_786 = arith.addi %add3A_785, %mul3A_784 : i32
      %get3A_787 = arith.index_cast %add3A_786 : i32 to index
      %get3A_788 = tpu.vector_load %arg7[%get3A_787] {strides = array<i32>} : memref<8192xf32, #tpu.memory_space<vmem>>, vector<16xf32>,
      %gt3A_789 = arith.cmpf ogt, %get3A_788, %select_n3A_766 : vector<16xf32>
      %select_n3A_790 = arith.select %gt3A_789, %get3A_788, %select_n3A_766 : vector<16xi1>, vector<16xf32>
      %select_n3A_791 = arith.select %gt3A_789, %add3A_773, %select_n3A_767 : vector<16xi1>, vector<16xi32>
      %scan3A_792 = arith.constant 7 : i32
      %scan3A_793 = arith.addi %scan3A_623, %scan3A_792 : i32
      %mul3A_794 = arith.constant 16 : i32
      %mul3A_795 = arith.muli %scan3A_793, %mul3A_794 : i32
      %add3A_796 = vector.broadcast %mul3A_795 : i32 to vector<16xi32>
      %add3A_797 = arith.addi %add3A_796, %iota3A : vector<16xi32>
      %mul3A_798 = arith.constant 16 : i32
      %mul3A_799 = arith.muli %scan3A_793, %mul3A_798 : i32
      %add3A_800 = arith.constant 0 : i32
      %add3A_801 = arith.addi %add3A_800, %mul3A_799 : i32
      %get3A_802 = arith.index_cast %add3A_801 : i32 to index
      %get3A_803 = tpu.vector_load %arg7[%get3A_802] {strides = array<i32>} : memref<8192xf32, #tpu.memory_space<vmem>>, vector<16xf32>,
      %gt3A_804 = arith.cmpf ogt, %get3A_803, %select_n3A_781 : vector<16xf32>
      %select_n3A_805 = arith.select %gt3A_804, %get3A_803, %select_n3A_781 : vector<16xi1>, vector<16xf32>
      %select_n3A_806 = arith.select %gt3A_804, %add3A_797, %select_n3A_782 : vector<16xi1>, vector<16xi32>
      %mul3A_807 = arith.constant 16 : i32
      %mul3A_808 = arith.muli %scan3A_793, %mul3A_807 : i32
      %add3A_809 = arith.constant 2048 : i32
      %add3A_810 = arith.addi %add3A_809, %mul3A_808 : i32
      %get3A_811 = arith.index_cast %add3A_810 : i32 to index
      %get3A_812 = tpu.vector_load %arg7[%get3A_811] {strides = array<i32>} : memref<8192xf32, #tpu.memory_space<vmem>>, vector<16xf32>,
      %gt3A_813 = arith.cmpf ogt, %get3A_812, %select_n3A_790 : vector<16xf32>
      %select_n3A_814 = arith.select %gt3A_813, %get3A_812, %select_n3A_790 : vector<16xi1>, vector<16xf32>
      %select_n3A_815 = arith.select %gt3A_813, %add3A_797, %select_n3A_791 : vector<16xi1>, vector<16xi32>
      scf.yield %select_n3A_805, %select_n3A_806, %select_n3A_814, %select_n3A_815 : vector<16xf32>, vector<16xi32>, vector<16xf32>, vector<16xi32>
    }
    %scan3A_12 = arith.constant 128 : i32
    %masked_sort3A = arith.constant dense<true> : vector<16xi1>
    %masked_sort3A_13, %masked_sort3A_14, %masked_sort3A_15 = tpu.sort %scan3A_11#0, %scan3A_11#1 masked %masked_sort3A {descending = true} : (vector<16xf32>, vector<16xi32>, vector<16xi1>) -> (vector<16xi1>, vector<16xf32>, vector<16xi32>)
    %slice3A = vector.extract_strided_slice %masked_sort3A_14 {offsets = [0], sizes = [1], strides = [1]} : vector<16xf32> to vector<1xf32>
    %squeeze3A = vector.extract %slice3A[0] : f32 from vector<1xf32>
    %eq3A = vector.broadcast %squeeze3A : f32 to vector<16xf32>
    %eq3A_16 = arith.cmpf oeq, %scan3A_11#0, %eq3A : vector<16xf32>
    %jit3A = arith.constant 2048 : i32
    %broadcast_in_dim3A_17 = vector.broadcast %jit3A : i32 to vector<16xi32>
    %select_n3A = arith.select %eq3A_16, %scan3A_11#1, %broadcast_in_dim3A_17 : vector<16xi1>, vector<16xi32>
    %masked_sort3A_18 = arith.constant dense<true> : vector<16xi1>
    %masked_sort3A_19 = arith.constant -2147483648 : i32
    %masked_sort3A_20 = vector.broadcast %masked_sort3A_19 : i32 to vector<16xi32>
    %masked_sort3A_21 = arith.xori %select_n3A, %masked_sort3A_20 : vector<16xi32>
    %masked_sort3A_22, %masked_sort3A_23, %masked_sort3A_24 = tpu.sort %masked_sort3A_21, %select_n3A masked %masked_sort3A_18 : (vector<16xi32>, vector<16xi32>, vector<16xi1>) -> (vector<16xi1>, vector<16xi32>, vector<16xi32>)
    %masked_sort3A_25 = arith.xori %masked_sort3A_23, %masked_sort3A_20 : vector<16xi32>
    %slice3A_26 = vector.extract_strided_slice %masked_sort3A_25 {offsets = [0], sizes = [1], strides = [1]} : vector<16xi32> to vector<1xi32>
    %squeeze3A_27 = vector.extract %slice3A_26[0] : i32 from vector<1xi32>
    %add3A_28 = arith.constant 0 : i32
    %add3A_29 = arith.addi %mul3A_2, %add3A_28 : i32
    %jit3A_30 = arith.constant 128 : i32
    %div3A = arith.divsi %squeeze3A_27, %jit3A_30 : i32
    %sign3A = arith.constant 0 : i32
    %sign3A_31 = arith.cmpi sgt, %squeeze3A_27, %sign3A : i32
    %sign3A_32 = arith.extui %sign3A_31 : i1 to i32
    %sign3A_33 = arith.constant 0 : i32
    %sign3A_34 = arith.cmpi slt, %squeeze3A_27, %sign3A_33 : i32
    %sign3A_35 = arith.extui %sign3A_34 : i1 to i32
    %sign3A_36 = arith.subi %sign3A_32, %sign3A_35 : i32
    %sign3A_37 = arith.constant 0 : i32
    %sign3A_38 = arith.cmpi sgt, %jit3A_30, %sign3A_37 : i32
    %sign3A_39 = arith.extui %sign3A_38 : i1 to i32
    %sign3A_40 = arith.constant 0 : i32
    %sign3A_41 = arith.cmpi slt, %jit3A_30, %sign3A_40 : i32
    %sign3A_42 = arith.extui %sign3A_41 : i1 to i32
    %sign3A_43 = arith.subi %sign3A_39, %sign3A_42 : i32
    %ne3A = arith.cmpi ne, %sign3A_36, %sign3A_43 : i32
    %rem3A = arith.remsi %squeeze3A_27, %jit3A_30 : i32
    %ne3A_44 = arith.constant 0 : i32
    %ne3A_45 = arith.cmpi ne, %rem3A, %ne3A_44 : i32
    %and3A = arith.andi %ne3A, %ne3A_45 : i1
    %sub3A = arith.constant 1 : i32
    %sub3A_46 = arith.subi %div3A, %sub3A : i32
    %select_n3A_47 = arith.select %and3A, %sub3A_46, %div3A : i32
    %mul3A_48 = arith.constant 128 : i32
    %mul3A_49 = arith.muli %select_n3A_47, %mul3A_48 : i32
    %sub3A_50 = arith.subi %squeeze3A_27, %mul3A_49 : i32
    %mul3A_51 = arith.constant 2048 : i32
    %mul3A_52 = arith.muli %add3A_29, %mul3A_51 : i32
    %add3A_53 = arith.addi %mul3A_52, %squeeze3A_27 : i32
    %dma_start3A = arith.constant 0 : i32
    %dma_start3A_54 = arith.constant 0 : i32
    %dma_start3A_55 = tpu.memref_slice %arg8[%dma_start3A, %dma_start3A_54] : memref<4x256xf32, #tpu.memory_space<vmem>> -> memref<1x256xf32, #tpu.memory_space<vmem>>
    %dma_start3A_56 = tpu.memref_squeeze %dma_start3A_55 : memref<1x256xf32, #tpu.memory_space<vmem>> -> memref<256xf32, #tpu.memory_space<vmem>>
    %dma_start3A_57 = arith.constant 0 : i32
    %dma_start3A_58 = tpu.memref_slice %arg3[%add3A_53, %dma_start3A_57] : memref<131072x256xf32, #tpu.memory_space<hbm>> -> memref<1x256xf32, #tpu.memory_space<hbm>>
    %dma_start3A_59 = tpu.memref_squeeze %dma_start3A_58 : memref<1x256xf32, #tpu.memory_space<hbm>> -> memref<256xf32, #tpu.memory_space<hbm>>
    %dma_start3A_60 = arith.constant 0 : i32
    %dma_start3A_61 = tpu.memref_slice %arg8[%dma_start3A, %dma_start3A_60] : memref<4x256xf32, #tpu.memory_space<vmem>> -> memref<1x256xf32, #tpu.memory_space<vmem>>
    %dma_start3A_62 = tpu.memref_squeeze %dma_start3A_61 : memref<1x256xf32, #tpu.memory_space<vmem>> -> memref<256xf32, #tpu.memory_space<vmem>>
    %dma_start3A_63 = arith.constant 0 : i32
    %dma_start3A_64 = tpu.memref_slice %arg3[%add3A_53, %dma_start3A_63] : memref<131072x256xf32, #tpu.memory_space<hbm>> -> memref<1x256xf32, #tpu.memory_space<hbm>>
    %dma_start3A_65 = tpu.memref_squeeze %dma_start3A_64 : memref<1x256xf32, #tpu.memory_space<hbm>> -> memref<256xf32, #tpu.memory_space<hbm>>
    tpu.enqueue_dma source(%dma_start3A_65 : memref<256xf32, #tpu.memory_space<hbm>>) target(%dma_start3A_62 : memref<256xf32, #tpu.memory_space<vmem>>) target_semaphore(%arg11 : memref<!tpu.dma_semaphore, #tpu.memory_space<semaphore_mem>>)
    %dma_start3A_66 = arith.constant 0 : i32
    %dma_start3A_67 = arith.constant 0 : i32
    %dma_start3A_68 = arith.constant 0 : i32
    %dma_start3A_69 = tpu.memref_slice %arg10[%dma_start3A_66, %dma_start3A_67, %dma_start3A_68] : memref<4x64x128xf32, #tpu.memory_space<vmem>> -> memref<1x64x128xf32, #tpu.memory_space<vmem>>
    %dma_start3A_70 = tpu.memref_squeeze %dma_start3A_69 : memref<1x64x128xf32, #tpu.memory_space<vmem>> -> memref<64x128xf32, #tpu.memory_space<vmem>>
    %dma_start3A_71 = arith.constant 0 : i32
    %dma_start3A_72 = tpu.memref_slice %arg4[%add3A_29, %dma_start3A_71, %mul3A_49] : memref<64x64x2048xf32, #tpu.memory_space<hbm>> -> memref<1x64x128xf32, #tpu.memory_space<hbm>>
    %dma_start3A_73 = tpu.memref_squeeze %dma_start3A_72 : memref<1x64x128xf32, #tpu.memory_space<hbm>> -> memref<64x128xf32, #tpu.memory_space<hbm>>
    %dma_start3A_74 = arith.constant 0 : i32
    %dma_start3A_75 = arith.constant 0 : i32
    %dma_start3A_76 = tpu.memref_slice %arg10[%dma_start3A_66, %dma_start3A_74, %dma_start3A_75] : memref<4x64x128xf32, #tpu.memory_space<vmem>> -> memref<1x64x128xf32, #tpu.memory_space<vmem>>
    %dma_start3A_77 = tpu.memref_squeeze %dma_start3A_76 : memref<1x64x128xf32, #tpu.memory_space<vmem>> -> memref<64x128xf32, #tpu.memory_space<vmem>>
    %dma_start3A_78 = arith.constant 0 : i32
    %dma_start3A_79 = tpu.memref_slice %arg4[%add3A_29, %dma_start3A_78, %mul3A_49] : memref<64x64x2048xf32, #tpu.memory_space<hbm>> -> memref<1x64x128xf32, #tpu.memory_space<hbm>>
    %dma_start3A_80 = tpu.memref_squeeze %dma_start3A_79 : memref<1x64x128xf32, #tpu.memory_space<hbm>> -> memref<64x128xf32, #tpu.memory_space<hbm>>
    tpu.enqueue_dma source(%dma_start3A_80 : memref<64x128xf32, #tpu.memory_space<hbm>>) target(%dma_start3A_77 : memref<64x128xf32, #tpu.memory_space<vmem>>) target_semaphore(%arg12 : memref<!tpu.dma_semaphore, #tpu.memory_space<semaphore_mem>>)
    %masked_sort3A_81 = arith.constant dense<true> : vector<16xi1>
    %masked_sort3A_82, %masked_sort3A_83, %masked_sort3A_84 = tpu.sort %scan3A_11#2, %scan3A_11#3 masked %masked_sort3A_81 {descending = true} : (vector<16xf32>, vector<16xi32>, vector<16xi1>) -> (vector<16xi1>, vector<16xf32>, vector<16xi32>)
    %slice3A_85 = vector.extract_strided_slice %masked_sort3A_83 {offsets = [0], sizes = [1], strides = [1]} : vector<16xf32> to vector<1xf32>
    %squeeze3A_86 = vector.extract %slice3A_85[0] : f32 from vector<1xf32>
    %eq3A_87 = vector.broadcast %squeeze3A_86 : f32 to vector<16xf32>
    %eq3A_88 = arith.cmpf oeq, %scan3A_11#2, %eq3A_87 : vector<16xf32>
    %jit3A_89 = arith.constant 2048 : i32
    %broadcast_in_dim3A_90 = vector.broadcast %jit3A_89 : i32 to vector<16xi32>
    %select_n3A_91 = arith.select %eq3A_88, %scan3A_11#3, %broadcast_in_dim3A_90 : vector<16xi1>, vector<16xi32>
    %masked_sort3A_92 = arith.constant dense<true> : vector<16xi1>
    %masked_sort3A_93 = arith.constant -2147483648 : i32
    %masked_sort3A_94 = vector.broadcast %masked_sort3A_93 : i32 to vector<16xi32>
    %masked_sort3A_95 = arith.xori %select_n3A_91, %masked_sort3A_94 : vector<16xi32>
    %masked_sort3A_96, %masked_sort3A_97, %masked_sort3A_98 = tpu.sort %masked_sort3A_95, %select_n3A_91 masked %masked_sort3A_92 : (vector<16xi32>, vector<16xi32>, vector<16xi1>) -> (vector<16xi1>, vector<16xi32>, vector<16xi32>)
    %masked_sort3A_99 = arith.xori %masked_sort3A_97, %masked_sort3A_94 : vector<16xi32>
    %slice3A_100 = vector.extract_strided_slice %masked_sort3A_99 {offsets = [0], sizes = [1], strides = [1]} : vector<16xi32> to vector<1xi32>
    %squeeze3A_101 = vector.extract %slice3A_100[0] : i32 from vector<1xi32>
    %add3A_102 = arith.constant 1 : i32
    %add3A_103 = arith.addi %mul3A_2, %add3A_102 : i32
    %jit3A_104 = arith.constant 128 : i32
    %div3A_105 = arith.divsi %squeeze3A_101, %jit3A_104 : i32
    %sign3A_106 = arith.constant 0 : i32
    %sign3A_107 = arith.cmpi sgt, %squeeze3A_101, %sign3A_106 : i32
    %sign3A_108 = arith.extui %sign3A_107 : i1 to i32
    %sign3A_109 = arith.constant 0 : i32
    %sign3A_110 = arith.cmpi slt, %squeeze3A_101, %sign3A_109 : i32
    %sign3A_111 = arith.extui %sign3A_110 : i1 to i32
    %sign3A_112 = arith.subi %sign3A_108, %sign3A_111 : i32
    %sign3A_113 = arith.constant 0 : i32
    %sign3A_114 = arith.cmpi sgt, %jit3A_104, %sign3A_113 : i32
    %sign3A_115 = arith.extui %sign3A_114 : i1 to i32
    %sign3A_116 = arith.constant 0 : i32
    %sign3A_117 = arith.cmpi slt, %jit3A_104, %sign3A_116 : i32
    %sign3A_118 = arith.extui %sign3A_117 : i1 to i32
    %sign3A_119 = arith.subi %sign3A_115, %sign3A_118 : i32
    %ne3A_120 = arith.cmpi ne, %sign3A_112, %sign3A_119 : i32
    %rem3A_121 = arith.remsi %squeeze3A_101, %jit3A_104 : i32
    %ne3A_122 = arith.constant 0 : i32
    %ne3A_123 = arith.cmpi ne, %rem3A_121, %ne3A_122 : i32
    %and3A_124 = arith.andi %ne3A_120, %ne3A_123 : i1
    %sub3A_125 = arith.constant 1 : i32
    %sub3A_126 = arith.subi %div3A_105, %sub3A_125 : i32
    %select_n3A_127 = arith.select %and3A_124, %sub3A_126, %div3A_105 : i32
    %mul3A_128 = arith.constant 128 : i32
    %mul3A_129 = arith.muli %select_n3A_127, %mul3A_128 : i32
    %sub3A_130 = arith.subi %squeeze3A_101, %mul3A_129 : i32
    %mul3A_131 = arith.constant 2048 : i32
    %mul3A_132 = arith.muli %add3A_103, %mul3A_131 : i32
    %add3A_133 = arith.addi %mul3A_132, %squeeze3A_101 : i32
    %dma_start3A_134 = arith.constant 1 : i32
    %dma_start3A_135 = arith.constant 0 : i32
    %dma_start3A_136 = tpu.memref_slice %arg8[%dma_start3A_134, %dma_start3A_135] : memref<4x256xf32, #tpu.memory_space<vmem>> -> memref<1x256xf32, #tpu.memory_space<vmem>>
    %dma_start3A_137 = tpu.memref_squeeze %dma_start3A_136 : memref<1x256xf32, #tpu.memory_space<vmem>> -> memref<256xf32, #tpu.memory_space<vmem>>
    %dma_start3A_138 = arith.constant 0 : i32
    %dma_start3A_139 = tpu.memref_slice %arg3[%add3A_133, %dma_start3A_138] : memref<131072x256xf32, #tpu.memory_space<hbm>> -> memref<1x256xf32, #tpu.memory_space<hbm>>
    %dma_start3A_140 = tpu.memref_squeeze %dma_start3A_139 : memref<1x256xf32, #tpu.memory_space<hbm>> -> memref<256xf32, #tpu.memory_space<hbm>>
    %dma_start3A_141 = arith.constant 0 : i32
    %dma_start3A_142 = tpu.memref_slice %arg8[%dma_start3A_134, %dma_start3A_141] : memref<4x256xf32, #tpu.memory_space<vmem>> -> memref<1x256xf32, #tpu.memory_space<vmem>>
    %dma_start3A_143 = tpu.memref_squeeze %dma_start3A_142 : memref<1x256xf32, #tpu.memory_space<vmem>> -> memref<256xf32, #tpu.memory_space<vmem>>
    %dma_start3A_144 = arith.constant 0 : i32
    %dma_start3A_145 = tpu.memref_slice %arg3[%add3A_133, %dma_start3A_144] : memref<131072x256xf32, #tpu.memory_space<hbm>> -> memref<1x256xf32, #tpu.memory_space<hbm>>
    %dma_start3A_146 = tpu.memref_squeeze %dma_start3A_145 : memref<1x256xf32, #tpu.memory_space<hbm>> -> memref<256xf32, #tpu.memory_space<hbm>>
    tpu.enqueue_dma source(%dma_start3A_146 : memref<256xf32, #tpu.memory_space<hbm>>) target(%dma_start3A_143 : memref<256xf32, #tpu.memory_space<vmem>>) target_semaphore(%arg11 : memref<!tpu.dma_semaphore, #tpu.memory_space<semaphore_mem>>)
    %dma_start3A_147 = arith.constant 1 : i32
    %dma_start3A_148 = arith.constant 0 : i32
    %dma_start3A_149 = arith.constant 0 : i32
    %dma_start3A_150 = tpu.memref_slice %arg10[%dma_start3A_147, %dma_start3A_148, %dma_start3A_149] : memref<4x64x128xf32, #tpu.memory_space<vmem>> -> memref<1x64x128xf32, #tpu.memory_space<vmem>>
    %dma_start3A_151 = tpu.memref_squeeze %dma_start3A_150 : memref<1x64x128xf32, #tpu.memory_space<vmem>> -> memref<64x128xf32, #tpu.memory_space<vmem>>
    %dma_start3A_152 = arith.constant 0 : i32
    %dma_start3A_153 = tpu.memref_slice %arg4[%add3A_103, %dma_start3A_152, %mul3A_129] : memref<64x64x2048xf32, #tpu.memory_space<hbm>> -> memref<1x64x128xf32, #tpu.memory_space<hbm>>
    %dma_start3A_154 = tpu.memref_squeeze %dma_start3A_153 : memref<1x64x128xf32, #tpu.memory_space<hbm>> -> memref<64x128xf32, #tpu.memory_space<hbm>>
    %dma_start3A_155 = arith.constant 0 : i32
    %dma_start3A_156 = arith.constant 0 : i32
    %dma_start3A_157 = tpu.memref_slice %arg10[%dma_start3A_147, %dma_start3A_155, %dma_start3A_156] : memref<4x64x128xf32, #tpu.memory_space<vmem>> -> memref<1x64x128xf32, #tpu.memory_space<vmem>>
    %dma_start3A_158 = tpu.memref_squeeze %dma_start3A_157 : memref<1x64x128xf32, #tpu.memory_space<vmem>> -> memref<64x128xf32, #tpu.memory_space<vmem>>
    %dma_start3A_159 = arith.constant 0 : i32
    %dma_start3A_160 = tpu.memref_slice %arg4[%add3A_103, %dma_start3A_159, %mul3A_129] : memref<64x64x2048xf32, #tpu.memory_space<hbm>> -> memref<1x64x128xf32, #tpu.memory_space<hbm>>
    %dma_start3A_161 = tpu.memref_squeeze %dma_start3A_160 : memref<1x64x128xf32, #tpu.memory_space<hbm>> -> memref<64x128xf32, #tpu.memory_space<hbm>>
    tpu.enqueue_dma source(%dma_start3A_161 : memref<64x128xf32, #tpu.memory_space<hbm>>) target(%dma_start3A_158 : memref<64x128xf32, #tpu.memory_space<vmem>>) target_semaphore(%arg12 : memref<!tpu.dma_semaphore, #tpu.memory_space<semaphore_mem>>)
    %broadcast_in_dim3A_162 = arith.constant 0xFF800000 : f32
    %broadcast_in_dim3A_163 = vector.broadcast %broadcast_in_dim3A_162 : f32 to vector<16xf32>
    %broadcast_in_dim3A_164 = arith.constant 0 : i32
    %broadcast_in_dim3A_165 = vector.broadcast %broadcast_in_dim3A_164 : i32 to vector<16xi32>
    %scan3A_166 = arith.constant 0 : i32
    %scan3A_167 = arith.constant 128 : i32
    %scan3A_168 = arith.addi %scan3A_166, %scan3A_167 : i32
    %scan3A_169 = arith.constant 8 : i32
    %scan3A_170:4 = scf.for %scan3A_623 = %scan3A_166 to %scan3A_168 step %scan3A_169 iter_args(%scan3A_624 = %broadcast_in_dim3A_163, %scan3A_625 = %broadcast_in_dim3A_165, %scan3A_626 = %broadcast_in_dim3A_163, %scan3A_627 = %broadcast_in_dim3A_165) -> (vector<16xf32>, vector<16xi32>, vector<16xf32>, vector<16xi32>)  : i32 {
      %mul3A_628 = arith.constant 16 : i32
      %mul3A_629 = arith.muli %scan3A_623, %mul3A_628 : i32
      %add3A_630 = vector.broadcast %mul3A_629 : i32 to vector<16xi32>
      %add3A_631 = arith.addi %add3A_630, %iota3A : vector<16xi32>
      %mul3A_632 = arith.constant 16 : i32
      %mul3A_633 = arith.muli %scan3A_623, %mul3A_632 : i32
      %add3A_634 = arith.constant 4096 : i32
      %add3A_635 = arith.addi %add3A_634, %mul3A_633 : i32
      %get3A = arith.index_cast %add3A_635 : i32 to index
      %get3A_636 = tpu.vector_load %arg7[%get3A] {strides = array<i32>} : memref<8192xf32, #tpu.memory_space<vmem>>, vector<16xf32>,
      %gt3A = arith.cmpf ogt, %get3A_636, %scan3A_624 : vector<16xf32>
      %select_n3A_637 = arith.select %gt3A, %get3A_636, %scan3A_624 : vector<16xi1>, vector<16xf32>
      %select_n3A_638 = arith.select %gt3A, %add3A_631, %scan3A_625 : vector<16xi1>, vector<16xi32>
      %mul3A_639 = arith.constant 16 : i32
      %mul3A_640 = arith.muli %scan3A_623, %mul3A_639 : i32
      %add3A_641 = arith.constant 6144 : i32
      %add3A_642 = arith.addi %add3A_641, %mul3A_640 : i32
      %get3A_643 = arith.index_cast %add3A_642 : i32 to index
      %get3A_644 = tpu.vector_load %arg7[%get3A_643] {strides = array<i32>} : memref<8192xf32, #tpu.memory_space<vmem>>, vector<16xf32>,
      %gt3A_645 = arith.cmpf ogt, %get3A_644, %scan3A_626 : vector<16xf32>
      %select_n3A_646 = arith.select %gt3A_645, %get3A_644, %scan3A_626 : vector<16xi1>, vector<16xf32>
      %select_n3A_647 = arith.select %gt3A_645, %add3A_631, %scan3A_627 : vector<16xi1>, vector<16xi32>
      %scan3A_648 = arith.constant 1 : i32
      %scan3A_649 = arith.addi %scan3A_623, %scan3A_648 : i32
      %mul3A_650 = arith.constant 16 : i32
      %mul3A_651 = arith.muli %scan3A_649, %mul3A_650 : i32
      %add3A_652 = vector.broadcast %mul3A_651 : i32 to vector<16xi32>
      %add3A_653 = arith.addi %add3A_652, %iota3A : vector<16xi32>
      %mul3A_654 = arith.constant 16 : i32
      %mul3A_655 = arith.muli %scan3A_649, %mul3A_654 : i32
      %add3A_656 = arith.constant 4096 : i32
      %add3A_657 = arith.addi %add3A_656, %mul3A_655 : i32
      %get3A_658 = arith.index_cast %add3A_657 : i32 to index
      %get3A_659 = tpu.vector_load %arg7[%get3A_658] {strides = array<i32>} : memref<8192xf32, #tpu.memory_space<vmem>>, vector<16xf32>,
      %gt3A_660 = arith.cmpf ogt, %get3A_659, %select_n3A_637 : vector<16xf32>
      %select_n3A_661 = arith.select %gt3A_660, %get3A_659, %select_n3A_637 : vector<16xi1>, vector<16xf32>
      %select_n3A_662 = arith.select %gt3A_660, %add3A_653, %select_n3A_638 : vector<16xi1>, vector<16xi32>
      %mul3A_663 = arith.constant 16 : i32
      %mul3A_664 = arith.muli %scan3A_649, %mul3A_663 : i32
      %add3A_665 = arith.constant 6144 : i32
      %add3A_666 = arith.addi %add3A_665, %mul3A_664 : i32
      %get3A_667 = arith.index_cast %add3A_666 : i32 to index
      %get3A_668 = tpu.vector_load %arg7[%get3A_667] {strides = array<i32>} : memref<8192xf32, #tpu.memory_space<vmem>>, vector<16xf32>,
      %gt3A_669 = arith.cmpf ogt, %get3A_668, %select_n3A_646 : vector<16xf32>
      %select_n3A_670 = arith.select %gt3A_669, %get3A_668, %select_n3A_646 : vector<16xi1>, vector<16xf32>
      %select_n3A_671 = arith.select %gt3A_669, %add3A_653, %select_n3A_647 : vector<16xi1>, vector<16xi32>
      %scan3A_672 = arith.constant 2 : i32
      %scan3A_673 = arith.addi %scan3A_623, %scan3A_672 : i32
      %mul3A_674 = arith.constant 16 : i32
      %mul3A_675 = arith.muli %scan3A_673, %mul3A_674 : i32
      %add3A_676 = vector.broadcast %mul3A_675 : i32 to vector<16xi32>
      %add3A_677 = arith.addi %add3A_676, %iota3A : vector<16xi32>
      %mul3A_678 = arith.constant 16 : i32
      %mul3A_679 = arith.muli %scan3A_673, %mul3A_678 : i32
      %add3A_680 = arith.constant 4096 : i32
      %add3A_681 = arith.addi %add3A_680, %mul3A_679 : i32
      %get3A_682 = arith.index_cast %add3A_681 : i32 to index
      %get3A_683 = tpu.vector_load %arg7[%get3A_682] {strides = array<i32>} : memref<8192xf32, #tpu.memory_space<vmem>>, vector<16xf32>,
      %gt3A_684 = arith.cmpf ogt, %get3A_683, %select_n3A_661 : vector<16xf32>
      %select_n3A_685 = arith.select %gt3A_684, %get3A_683, %select_n3A_661 : vector<16xi1>, vector<16xf32>
      %select_n3A_686 = arith.select %gt3A_684, %add3A_677, %select_n3A_662 : vector<16xi1>, vector<16xi32>
      %mul3A_687 = arith.constant 16 : i32
      %mul3A_688 = arith.muli %scan3A_673, %mul3A_687 : i32
      %add3A_689 = arith.constant 6144 : i32
      %add3A_690 = arith.addi %add3A_689, %mul3A_688 : i32
      %get3A_691 = arith.index_cast %add3A_690 : i32 to index
      %get3A_692 = tpu.vector_load %arg7[%get3A_691] {strides = array<i32>} : memref<8192xf32, #tpu.memory_space<vmem>>, vector<16xf32>,
      %gt3A_693 = arith.cmpf ogt, %get3A_692, %select_n3A_670 : vector<16xf32>
      %select_n3A_694 = arith.select %gt3A_693, %get3A_692, %select_n3A_670 : vector<16xi1>, vector<16xf32>
      %select_n3A_695 = arith.select %gt3A_693, %add3A_677, %select_n3A_671 : vector<16xi1>, vector<16xi32>
      %scan3A_696 = arith.constant 3 : i32
      %scan3A_697 = arith.addi %scan3A_623, %scan3A_696 : i32
      %mul3A_698 = arith.constant 16 : i32
      %mul3A_699 = arith.muli %scan3A_697, %mul3A_698 : i32
      %add3A_700 = vector.broadcast %mul3A_699 : i32 to vector<16xi32>
      %add3A_701 = arith.addi %add3A_700, %iota3A : vector<16xi32>
      %mul3A_702 = arith.constant 16 : i32
      %mul3A_703 = arith.muli %scan3A_697, %mul3A_702 : i32
      %add3A_704 = arith.constant 4096 : i32
      %add3A_705 = arith.addi %add3A_704, %mul3A_703 : i32
      %get3A_706 = arith.index_cast %add3A_705 : i32 to index
      %get3A_707 = tpu.vector_load %arg7[%get3A_706] {strides = array<i32>} : memref<8192xf32, #tpu.memory_space<vmem>>, vector<16xf32>,
      %gt3A_708 = arith.cmpf ogt, %get3A_707, %select_n3A_685 : vector<16xf32>
      %select_n3A_709 = arith.select %gt3A_708, %get3A_707, %select_n3A_685 : vector<16xi1>, vector<16xf32>
      %select_n3A_710 = arith.select %gt3A_708, %add3A_701, %select_n3A_686 : vector<16xi1>, vector<16xi32>
      %mul3A_711 = arith.constant 16 : i32
      %mul3A_712 = arith.muli %scan3A_697, %mul3A_711 : i32
      %add3A_713 = arith.constant 6144 : i32
      %add3A_714 = arith.addi %add3A_713, %mul3A_712 : i32
      %get3A_715 = arith.index_cast %add3A_714 : i32 to index
      %get3A_716 = tpu.vector_load %arg7[%get3A_715] {strides = array<i32>} : memref<8192xf32, #tpu.memory_space<vmem>>, vector<16xf32>,
      %gt3A_717 = arith.cmpf ogt, %get3A_716, %select_n3A_694 : vector<16xf32>
      %select_n3A_718 = arith.select %gt3A_717, %get3A_716, %select_n3A_694 : vector<16xi1>, vector<16xf32>
      %select_n3A_719 = arith.select %gt3A_717, %add3A_701, %select_n3A_695 : vector<16xi1>, vector<16xi32>
      %scan3A_720 = arith.constant 4 : i32
      %scan3A_721 = arith.addi %scan3A_623, %scan3A_720 : i32
      %mul3A_722 = arith.constant 16 : i32
      %mul3A_723 = arith.muli %scan3A_721, %mul3A_722 : i32
      %add3A_724 = vector.broadcast %mul3A_723 : i32 to vector<16xi32>
      %add3A_725 = arith.addi %add3A_724, %iota3A : vector<16xi32>
      %mul3A_726 = arith.constant 16 : i32
      %mul3A_727 = arith.muli %scan3A_721, %mul3A_726 : i32
      %add3A_728 = arith.constant 4096 : i32
      %add3A_729 = arith.addi %add3A_728, %mul3A_727 : i32
      %get3A_730 = arith.index_cast %add3A_729 : i32 to index
      %get3A_731 = tpu.vector_load %arg7[%get3A_730] {strides = array<i32>} : memref<8192xf32, #tpu.memory_space<vmem>>, vector<16xf32>,
      %gt3A_732 = arith.cmpf ogt, %get3A_731, %select_n3A_709 : vector<16xf32>
      %select_n3A_733 = arith.select %gt3A_732, %get3A_731, %select_n3A_709 : vector<16xi1>, vector<16xf32>
      %select_n3A_734 = arith.select %gt3A_732, %add3A_725, %select_n3A_710 : vector<16xi1>, vector<16xi32>
      %mul3A_735 = arith.constant 16 : i32
      %mul3A_736 = arith.muli %scan3A_721, %mul3A_735 : i32
      %add3A_737 = arith.constant 6144 : i32
      %add3A_738 = arith.addi %add3A_737, %mul3A_736 : i32
      %get3A_739 = arith.index_cast %add3A_738 : i32 to index
      %get3A_740 = tpu.vector_load %arg7[%get3A_739] {strides = array<i32>} : memref<8192xf32, #tpu.memory_space<vmem>>, vector<16xf32>,
      %gt3A_741 = arith.cmpf ogt, %get3A_740, %select_n3A_718 : vector<16xf32>
      %select_n3A_742 = arith.select %gt3A_741, %get3A_740, %select_n3A_718 : vector<16xi1>, vector<16xf32>
      %select_n3A_743 = arith.select %gt3A_741, %add3A_725, %select_n3A_719 : vector<16xi1>, vector<16xi32>
      %scan3A_744 = arith.constant 5 : i32
      %scan3A_745 = arith.addi %scan3A_623, %scan3A_744 : i32
      %mul3A_746 = arith.constant 16 : i32
      %mul3A_747 = arith.muli %scan3A_745, %mul3A_746 : i32
      %add3A_748 = vector.broadcast %mul3A_747 : i32 to vector<16xi32>
      %add3A_749 = arith.addi %add3A_748, %iota3A : vector<16xi32>
      %mul3A_750 = arith.constant 16 : i32
      %mul3A_751 = arith.muli %scan3A_745, %mul3A_750 : i32
      %add3A_752 = arith.constant 4096 : i32
      %add3A_753 = arith.addi %add3A_752, %mul3A_751 : i32
      %get3A_754 = arith.index_cast %add3A_753 : i32 to index
      %get3A_755 = tpu.vector_load %arg7[%get3A_754] {strides = array<i32>} : memref<8192xf32, #tpu.memory_space<vmem>>, vector<16xf32>,
      %gt3A_756 = arith.cmpf ogt, %get3A_755, %select_n3A_733 : vector<16xf32>
      %select_n3A_757 = arith.select %gt3A_756, %get3A_755, %select_n3A_733 : vector<16xi1>, vector<16xf32>
      %select_n3A_758 = arith.select %gt3A_756, %add3A_749, %select_n3A_734 : vector<16xi1>, vector<16xi32>
      %mul3A_759 = arith.constant 16 : i32
      %mul3A_760 = arith.muli %scan3A_745, %mul3A_759 : i32
      %add3A_761 = arith.constant 6144 : i32
      %add3A_762 = arith.addi %add3A_761, %mul3A_760 : i32
      %get3A_763 = arith.index_cast %add3A_762 : i32 to index
      %get3A_764 = tpu.vector_load %arg7[%get3A_763] {strides = array<i32>} : memref<8192xf32, #tpu.memory_space<vmem>>, vector<16xf32>,
      %gt3A_765 = arith.cmpf ogt, %get3A_764, %select_n3A_742 : vector<16xf32>
      %select_n3A_766 = arith.select %gt3A_765, %get3A_764, %select_n3A_742 : vector<16xi1>, vector<16xf32>
      %select_n3A_767 = arith.select %gt3A_765, %add3A_749, %select_n3A_743 : vector<16xi1>, vector<16xi32>
      %scan3A_768 = arith.constant 6 : i32
      %scan3A_769 = arith.addi %scan3A_623, %scan3A_768 : i32
      %mul3A_770 = arith.constant 16 : i32
      %mul3A_771 = arith.muli %scan3A_769, %mul3A_770 : i32
      %add3A_772 = vector.broadcast %mul3A_771 : i32 to vector<16xi32>
      %add3A_773 = arith.addi %add3A_772, %iota3A : vector<16xi32>
      %mul3A_774 = arith.constant 16 : i32
      %mul3A_775 = arith.muli %scan3A_769, %mul3A_774 : i32
      %add3A_776 = arith.constant 4096 : i32
      %add3A_777 = arith.addi %add3A_776, %mul3A_775 : i32
      %get3A_778 = arith.index_cast %add3A_777 : i32 to index
      %get3A_779 = tpu.vector_load %arg7[%get3A_778] {strides = array<i32>} : memref<8192xf32, #tpu.memory_space<vmem>>, vector<16xf32>,
      %gt3A_780 = arith.cmpf ogt, %get3A_779, %select_n3A_757 : vector<16xf32>
      %select_n3A_781 = arith.select %gt3A_780, %get3A_779, %select_n3A_757 : vector<16xi1>, vector<16xf32>
      %select_n3A_782 = arith.select %gt3A_780, %add3A_773, %select_n3A_758 : vector<16xi1>, vector<16xi32>
      %mul3A_783 = arith.constant 16 : i32
      %mul3A_784 = arith.muli %scan3A_769, %mul3A_783 : i32
      %add3A_785 = arith.constant 6144 : i32
      %add3A_786 = arith.addi %add3A_785, %mul3A_784 : i32
      %get3A_787 = arith.index_cast %add3A_786 : i32 to index
      %get3A_788 = tpu.vector_load %arg7[%get3A_787] {strides = array<i32>} : memref<8192xf32, #tpu.memory_space<vmem>>, vector<16xf32>,
      %gt3A_789 = arith.cmpf ogt, %get3A_788, %select_n3A_766 : vector<16xf32>
      %select_n3A_790 = arith.select %gt3A_789, %get3A_788, %select_n3A_766 : vector<16xi1>, vector<16xf32>
      %select_n3A_791 = arith.select %gt3A_789, %add3A_773, %select_n3A_767 : vector<16xi1>, vector<16xi32>
      %scan3A_792 = arith.constant 7 : i32
      %scan3A_793 = arith.addi %scan3A_623, %scan3A_792 : i32
      %mul3A_794 = arith.constant 16 : i32
      %mul3A_795 = arith.muli %scan3A_793, %mul3A_794 : i32
      %add3A_796 = vector.broadcast %mul3A_795 : i32 to vector<16xi32>
      %add3A_797 = arith.addi %add3A_796, %iota3A : vector<16xi32>
      %mul3A_798 = arith.constant 16 : i32
      %mul3A_799 = arith.muli %scan3A_793, %mul3A_798 : i32
      %add3A_800 = arith.constant 4096 : i32
      %add3A_801 = arith.addi %add3A_800, %mul3A_799 : i32
      %get3A_802 = arith.index_cast %add3A_801 : i32 to index
      %get3A_803 = tpu.vector_load %arg7[%get3A_802] {strides = array<i32>} : memref<8192xf32, #tpu.memory_space<vmem>>, vector<16xf32>,
      %gt3A_804 = arith.cmpf ogt, %get3A_803, %select_n3A_781 : vector<16xf32>
      %select_n3A_805 = arith.select %gt3A_804, %get3A_803, %select_n3A_781 : vector<16xi1>, vector<16xf32>
      %select_n3A_806 = arith.select %gt3A_804, %add3A_797, %select_n3A_782 : vector<16xi1>, vector<16xi32>
      %mul3A_807 = arith.constant 16 : i32
      %mul3A_808 = arith.muli %scan3A_793, %mul3A_807 : i32
      %add3A_809 = arith.constant 6144 : i32
      %add3A_810 = arith.addi %add3A_809, %mul3A_808 : i32
      %get3A_811 = arith.index_cast %add3A_810 : i32 to index
      %get3A_812 = tpu.vector_load %arg7[%get3A_811] {strides = array<i32>} : memref<8192xf32, #tpu.memory_space<vmem>>, vector<16xf32>,
      %gt3A_813 = arith.cmpf ogt, %get3A_812, %select_n3A_790 : vector<16xf32>
      %select_n3A_814 = arith.select %gt3A_813, %get3A_812, %select_n3A_790 : vector<16xi1>, vector<16xf32>
      %select_n3A_815 = arith.select %gt3A_813, %add3A_797, %select_n3A_791 : vector<16xi1>, vector<16xi32>
      scf.yield %select_n3A_805, %select_n3A_806, %select_n3A_814, %select_n3A_815 : vector<16xf32>, vector<16xi32>, vector<16xf32>, vector<16xi32>
    }
    %scan3A_171 = arith.constant 128 : i32
    %masked_sort3A_172 = arith.constant dense<true> : vector<16xi1>
    %masked_sort3A_173, %masked_sort3A_174, %masked_sort3A_175 = tpu.sort %scan3A_170#0, %scan3A_170#1 masked %masked_sort3A_172 {descending = true} : (vector<16xf32>, vector<16xi32>, vector<16xi1>) -> (vector<16xi1>, vector<16xf32>, vector<16xi32>)
    %slice3A_176 = vector.extract_strided_slice %masked_sort3A_174 {offsets = [0], sizes = [1], strides = [1]} : vector<16xf32> to vector<1xf32>
    %squeeze3A_177 = vector.extract %slice3A_176[0] : f32 from vector<1xf32>
    %eq3A_178 = vector.broadcast %squeeze3A_177 : f32 to vector<16xf32>
    %eq3A_179 = arith.cmpf oeq, %scan3A_170#0, %eq3A_178 : vector<16xf32>
    %jit3A_180 = arith.constant 2048 : i32
    %broadcast_in_dim3A_181 = vector.broadcast %jit3A_180 : i32 to vector<16xi32>
    %select_n3A_182 = arith.select %eq3A_179, %scan3A_170#1, %broadcast_in_dim3A_181 : vector<16xi1>, vector<16xi32>
    %masked_sort3A_183 = arith.constant dense<true> : vector<16xi1>
    %masked_sort3A_184 = arith.constant -2147483648 : i32
    %masked_sort3A_185 = vector.broadcast %masked_sort3A_184 : i32 to vector<16xi32>
    %masked_sort3A_186 = arith.xori %select_n3A_182, %masked_sort3A_185 : vector<16xi32>
    %masked_sort3A_187, %masked_sort3A_188, %masked_sort3A_189 = tpu.sort %masked_sort3A_186, %select_n3A_182 masked %masked_sort3A_183 : (vector<16xi32>, vector<16xi32>, vector<16xi1>) -> (vector<16xi1>, vector<16xi32>, vector<16xi32>)
    %masked_sort3A_190 = arith.xori %masked_sort3A_188, %masked_sort3A_185 : vector<16xi32>
    %slice3A_191 = vector.extract_strided_slice %masked_sort3A_190 {offsets = [0], sizes = [1], strides = [1]} : vector<16xi32> to vector<1xi32>
    %squeeze3A_192 = vector.extract %slice3A_191[0] : i32 from vector<1xi32>
    %add3A_193 = arith.constant 2 : i32
    %add3A_194 = arith.addi %mul3A_2, %add3A_193 : i32
    %jit3A_195 = arith.constant 128 : i32
    %div3A_196 = arith.divsi %squeeze3A_192, %jit3A_195 : i32
    %sign3A_197 = arith.constant 0 : i32
    %sign3A_198 = arith.cmpi sgt, %squeeze3A_192, %sign3A_197 : i32
    %sign3A_199 = arith.extui %sign3A_198 : i1 to i32
    %sign3A_200 = arith.constant 0 : i32
    %sign3A_201 = arith.cmpi slt, %squeeze3A_192, %sign3A_200 : i32
    %sign3A_202 = arith.extui %sign3A_201 : i1 to i32
    %sign3A_203 = arith.subi %sign3A_199, %sign3A_202 : i32
    %sign3A_204 = arith.constant 0 : i32
    %sign3A_205 = arith.cmpi sgt, %jit3A_195, %sign3A_204 : i32
    %sign3A_206 = arith.extui %sign3A_205 : i1 to i32
    %sign3A_207 = arith.constant 0 : i32
    %sign3A_208 = arith.cmpi slt, %jit3A_195, %sign3A_207 : i32
    %sign3A_209 = arith.extui %sign3A_208 : i1 to i32
    %sign3A_210 = arith.subi %sign3A_206, %sign3A_209 : i32
    %ne3A_211 = arith.cmpi ne, %sign3A_203, %sign3A_210 : i32
    %rem3A_212 = arith.remsi %squeeze3A_192, %jit3A_195 : i32
    %ne3A_213 = arith.constant 0 : i32
    %ne3A_214 = arith.cmpi ne, %rem3A_212, %ne3A_213 : i32
    %and3A_215 = arith.andi %ne3A_211, %ne3A_214 : i1
    %sub3A_216 = arith.constant 1 : i32
    %sub3A_217 = arith.subi %div3A_196, %sub3A_216 : i32
    %select_n3A_218 = arith.select %and3A_215, %sub3A_217, %div3A_196 : i32
    %mul3A_219 = arith.constant 128 : i32
    %mul3A_220 = arith.muli %select_n3A_218, %mul3A_219 : i32
    %sub3A_221 = arith.subi %squeeze3A_192, %mul3A_220 : i32
    %mul3A_222 = arith.constant 2048 : i32
    %mul3A_223 = arith.muli %add3A_194, %mul3A_222 : i32
    %add3A_224 = arith.addi %mul3A_223, %squeeze3A_192 : i32
    %dma_start3A_225 = arith.constant 2 : i32
    %dma_start3A_226 = arith.constant 0 : i32
    %dma_start3A_227 = tpu.memref_slice %arg8[%dma_start3A_225, %dma_start3A_226] : memref<4x256xf32, #tpu.memory_space<vmem>> -> memref<1x256xf32, #tpu.memory_space<vmem>>
    %dma_start3A_228 = tpu.memref_squeeze %dma_start3A_227 : memref<1x256xf32, #tpu.memory_space<vmem>> -> memref<256xf32, #tpu.memory_space<vmem>>
    %dma_start3A_229 = arith.constant 0 : i32
    %dma_start3A_230 = tpu.memref_slice %arg3[%add3A_224, %dma_start3A_229] : memref<131072x256xf32, #tpu.memory_space<hbm>> -> memref<1x256xf32, #tpu.memory_space<hbm>>
    %dma_start3A_231 = tpu.memref_squeeze %dma_start3A_230 : memref<1x256xf32, #tpu.memory_space<hbm>> -> memref<256xf32, #tpu.memory_space<hbm>>
    %dma_start3A_232 = arith.constant 0 : i32
    %dma_start3A_233 = tpu.memref_slice %arg8[%dma_start3A_225, %dma_start3A_232] : memref<4x256xf32, #tpu.memory_space<vmem>> -> memref<1x256xf32, #tpu.memory_space<vmem>>
    %dma_start3A_234 = tpu.memref_squeeze %dma_start3A_233 : memref<1x256xf32, #tpu.memory_space<vmem>> -> memref<256xf32, #tpu.memory_space<vmem>>
    %dma_start3A_235 = arith.constant 0 : i32
    %dma_start3A_236 = tpu.memref_slice %arg3[%add3A_224, %dma_start3A_235] : memref<131072x256xf32, #tpu.memory_space<hbm>> -> memref<1x256xf32, #tpu.memory_space<hbm>>
    %dma_start3A_237 = tpu.memref_squeeze %dma_start3A_236 : memref<1x256xf32, #tpu.memory_space<hbm>> -> memref<256xf32, #tpu.memory_space<hbm>>
    tpu.enqueue_dma source(%dma_start3A_237 : memref<256xf32, #tpu.memory_space<hbm>>) target(%dma_start3A_234 : memref<256xf32, #tpu.memory_space<vmem>>) target_semaphore(%arg11 : memref<!tpu.dma_semaphore, #tpu.memory_space<semaphore_mem>>)
    %dma_start3A_238 = arith.constant 2 : i32
    %dma_start3A_239 = arith.constant 0 : i32
    %dma_start3A_240 = arith.constant 0 : i32
    %dma_start3A_241 = tpu.memref_slice %arg10[%dma_start3A_238, %dma_start3A_239, %dma_start3A_240] : memref<4x64x128xf32, #tpu.memory_space<vmem>> -> memref<1x64x128xf32, #tpu.memory_space<vmem>>
    %dma_start3A_242 = tpu.memref_squeeze %dma_start3A_241 : memref<1x64x128xf32, #tpu.memory_space<vmem>> -> memref<64x128xf32, #tpu.memory_space<vmem>>
    %dma_start3A_243 = arith.constant 0 : i32
    %dma_start3A_244 = tpu.memref_slice %arg4[%add3A_194, %dma_start3A_243, %mul3A_220] : memref<64x64x2048xf32, #tpu.memory_space<hbm>> -> memref<1x64x128xf32, #tpu.memory_space<hbm>>
    %dma_start3A_245 = tpu.memref_squeeze %dma_start3A_244 : memref<1x64x128xf32, #tpu.memory_space<hbm>> -> memref<64x128xf32, #tpu.memory_space<hbm>>
    %dma_start3A_246 = arith.constant 0 : i32
    %dma_start3A_247 = arith.constant 0 : i32
    %dma_start3A_248 = tpu.memref_slice %arg10[%dma_start3A_238, %dma_start3A_246, %dma_start3A_247] : memref<4x64x128xf32, #tpu.memory_space<vmem>> -> memref<1x64x128xf32, #tpu.memory_space<vmem>>
    %dma_start3A_249 = tpu.memref_squeeze %dma_start3A_248 : memref<1x64x128xf32, #tpu.memory_space<vmem>> -> memref<64x128xf32, #tpu.memory_space<vmem>>
    %dma_start3A_250 = arith.constant 0 : i32
    %dma_start3A_251 = tpu.memref_slice %arg4[%add3A_194, %dma_start3A_250, %mul3A_220] : memref<64x64x2048xf32, #tpu.memory_space<hbm>> -> memref<1x64x128xf32, #tpu.memory_space<hbm>>
    %dma_start3A_252 = tpu.memref_squeeze %dma_start3A_251 : memref<1x64x128xf32, #tpu.memory_space<hbm>> -> memref<64x128xf32, #tpu.memory_space<hbm>>
    tpu.enqueue_dma source(%dma_start3A_252 : memref<64x128xf32, #tpu.memory_space<hbm>>) target(%dma_start3A_249 : memref<64x128xf32, #tpu.memory_space<vmem>>) target_semaphore(%arg12 : memref<!tpu.dma_semaphore, #tpu.memory_space<semaphore_mem>>)
    %masked_sort3A_253 = arith.constant dense<true> : vector<16xi1>
    %masked_sort3A_254, %masked_sort3A_255, %masked_sort3A_256 = tpu.sort %scan3A_170#2, %scan3A_170#3 masked %masked_sort3A_253 {descending = true} : (vector<16xf32>, vector<16xi32>, vector<16xi1>) -> (vector<16xi1>, vector<16xf32>, vector<16xi32>)
    %slice3A_257 = vector.extract_strided_slice %masked_sort3A_255 {offsets = [0], sizes = [1], strides = [1]} : vector<16xf32> to vector<1xf32>
    %squeeze3A_258 = vector.extract %slice3A_257[0] : f32 from vector<1xf32>
    %eq3A_259 = vector.broadcast %squeeze3A_258 : f32 to vector<16xf32>
    %eq3A_260 = arith.cmpf oeq, %scan3A_170#2, %eq3A_259 : vector<16xf32>
    %jit3A_261 = arith.constant 2048 : i32
    %broadcast_in_dim3A_262 = vector.broadcast %jit3A_261 : i32 to vector<16xi32>
    %select_n3A_263 = arith.select %eq3A_260, %scan3A_170#3, %broadcast_in_dim3A_262 : vector<16xi1>, vector<16xi32>
    %masked_sort3A_264 = arith.constant dense<true> : vector<16xi1>
    %masked_sort3A_265 = arith.constant -2147483648 : i32
    %masked_sort3A_266 = vector.broadcast %masked_sort3A_265 : i32 to vector<16xi32>
    %masked_sort3A_267 = arith.xori %select_n3A_263, %masked_sort3A_266 : vector<16xi32>
    %masked_sort3A_268, %masked_sort3A_269, %masked_sort3A_270 = tpu.sort %masked_sort3A_267, %select_n3A_263 masked %masked_sort3A_264 : (vector<16xi32>, vector<16xi32>, vector<16xi1>) -> (vector<16xi1>, vector<16xi32>, vector<16xi32>)
    %masked_sort3A_271 = arith.xori %masked_sort3A_269, %masked_sort3A_266 : vector<16xi32>
    %slice3A_272 = vector.extract_strided_slice %masked_sort3A_271 {offsets = [0], sizes = [1], strides = [1]} : vector<16xi32> to vector<1xi32>
    %squeeze3A_273 = vector.extract %slice3A_272[0] : i32 from vector<1xi32>
    %add3A_274 = arith.constant 3 : i32
    %add3A_275 = arith.addi %mul3A_2, %add3A_274 : i32
    %jit3A_276 = arith.constant 128 : i32
    %div3A_277 = arith.divsi %squeeze3A_273, %jit3A_276 : i32
    %sign3A_278 = arith.constant 0 : i32
    %sign3A_279 = arith.cmpi sgt, %squeeze3A_273, %sign3A_278 : i32
    %sign3A_280 = arith.extui %sign3A_279 : i1 to i32
    %sign3A_281 = arith.constant 0 : i32
    %sign3A_282 = arith.cmpi slt, %squeeze3A_273, %sign3A_281 : i32
    %sign3A_283 = arith.extui %sign3A_282 : i1 to i32
    %sign3A_284 = arith.subi %sign3A_280, %sign3A_283 : i32
    %sign3A_285 = arith.constant 0 : i32
    %sign3A_286 = arith.cmpi sgt, %jit3A_276, %sign3A_285 : i32
    %sign3A_287 = arith.extui %sign3A_286 : i1 to i32
    %sign3A_288 = arith.constant 0 : i32
    %sign3A_289 = arith.cmpi slt, %jit3A_276, %sign3A_288 : i32
    %sign3A_290 = arith.extui %sign3A_289 : i1 to i32
    %sign3A_291 = arith.subi %sign3A_287, %sign3A_290 : i32
    %ne3A_292 = arith.cmpi ne, %sign3A_284, %sign3A_291 : i32
    %rem3A_293 = arith.remsi %squeeze3A_273, %jit3A_276 : i32
    %ne3A_294 = arith.constant 0 : i32
    %ne3A_295 = arith.cmpi ne, %rem3A_293, %ne3A_294 : i32
    %and3A_296 = arith.andi %ne3A_292, %ne3A_295 : i1
    %sub3A_297 = arith.constant 1 : i32
    %sub3A_298 = arith.subi %div3A_277, %sub3A_297 : i32
    %select_n3A_299 = arith.select %and3A_296, %sub3A_298, %div3A_277 : i32
    %mul3A_300 = arith.constant 128 : i32
    %mul3A_301 = arith.muli %select_n3A_299, %mul3A_300 : i32
    %sub3A_302 = arith.subi %squeeze3A_273, %mul3A_301 : i32
    %mul3A_303 = arith.constant 2048 : i32
    %mul3A_304 = arith.muli %add3A_275, %mul3A_303 : i32
    %add3A_305 = arith.addi %mul3A_304, %squeeze3A_273 : i32
    %dma_start3A_306 = arith.constant 3 : i32
    %dma_start3A_307 = arith.constant 0 : i32
    %dma_start3A_308 = tpu.memref_slice %arg8[%dma_start3A_306, %dma_start3A_307] : memref<4x256xf32, #tpu.memory_space<vmem>> -> memref<1x256xf32, #tpu.memory_space<vmem>>
    %dma_start3A_309 = tpu.memref_squeeze %dma_start3A_308 : memref<1x256xf32, #tpu.memory_space<vmem>> -> memref<256xf32, #tpu.memory_space<vmem>>
    %dma_start3A_310 = arith.constant 0 : i32
    %dma_start3A_311 = tpu.memref_slice %arg3[%add3A_305, %dma_start3A_310] : memref<131072x256xf32, #tpu.memory_space<hbm>> -> memref<1x256xf32, #tpu.memory_space<hbm>>
    %dma_start3A_312 = tpu.memref_squeeze %dma_start3A_311 : memref<1x256xf32, #tpu.memory_space<hbm>> -> memref<256xf32, #tpu.memory_space<hbm>>
    %dma_start3A_313 = arith.constant 0 : i32
    %dma_start3A_314 = tpu.memref_slice %arg8[%dma_start3A_306, %dma_start3A_313] : memref<4x256xf32, #tpu.memory_space<vmem>> -> memref<1x256xf32, #tpu.memory_space<vmem>>
    %dma_start3A_315 = tpu.memref_squeeze %dma_start3A_314 : memref<1x256xf32, #tpu.memory_space<vmem>> -> memref<256xf32, #tpu.memory_space<vmem>>
    %dma_start3A_316 = arith.constant 0 : i32
    %dma_start3A_317 = tpu.memref_slice %arg3[%add3A_305, %dma_start3A_316] : memref<131072x256xf32, #tpu.memory_space<hbm>> -> memref<1x256xf32, #tpu.memory_space<hbm>>
    %dma_start3A_318 = tpu.memref_squeeze %dma_start3A_317 : memref<1x256xf32, #tpu.memory_space<hbm>> -> memref<256xf32, #tpu.memory_space<hbm>>
    tpu.enqueue_dma source(%dma_start3A_318 : memref<256xf32, #tpu.memory_space<hbm>>) target(%dma_start3A_315 : memref<256xf32, #tpu.memory_space<vmem>>) target_semaphore(%arg11 : memref<!tpu.dma_semaphore, #tpu.memory_space<semaphore_mem>>)
    %dma_start3A_319 = arith.constant 3 : i32
    %dma_start3A_320 = arith.constant 0 : i32
    %dma_start3A_321 = arith.constant 0 : i32
    %dma_start3A_322 = tpu.memref_slice %arg10[%dma_start3A_319, %dma_start3A_320, %dma_start3A_321] : memref<4x64x128xf32, #tpu.memory_space<vmem>> -> memref<1x64x128xf32, #tpu.memory_space<vmem>>
    %dma_start3A_323 = tpu.memref_squeeze %dma_start3A_322 : memref<1x64x128xf32, #tpu.memory_space<vmem>> -> memref<64x128xf32, #tpu.memory_space<vmem>>
    %dma_start3A_324 = arith.constant 0 : i32
    %dma_start3A_325 = tpu.memref_slice %arg4[%add3A_275, %dma_start3A_324, %mul3A_301] : memref<64x64x2048xf32, #tpu.memory_space<hbm>> -> memref<1x64x128xf32, #tpu.memory_space<hbm>>
    %dma_start3A_326 = tpu.memref_squeeze %dma_start3A_325 : memref<1x64x128xf32, #tpu.memory_space<hbm>> -> memref<64x128xf32, #tpu.memory_space<hbm>>
    %dma_start3A_327 = arith.constant 0 : i32
    %dma_start3A_328 = arith.constant 0 : i32
    %dma_start3A_329 = tpu.memref_slice %arg10[%dma_start3A_319, %dma_start3A_327, %dma_start3A_328] : memref<4x64x128xf32, #tpu.memory_space<vmem>> -> memref<1x64x128xf32, #tpu.memory_space<vmem>>
    %dma_start3A_330 = tpu.memref_squeeze %dma_start3A_329 : memref<1x64x128xf32, #tpu.memory_space<vmem>> -> memref<64x128xf32, #tpu.memory_space<vmem>>
    %dma_start3A_331 = arith.constant 0 : i32
    %dma_start3A_332 = tpu.memref_slice %arg4[%add3A_275, %dma_start3A_331, %mul3A_301] : memref<64x64x2048xf32, #tpu.memory_space<hbm>> -> memref<1x64x128xf32, #tpu.memory_space<hbm>>
    %dma_start3A_333 = tpu.memref_squeeze %dma_start3A_332 : memref<1x64x128xf32, #tpu.memory_space<hbm>> -> memref<64x128xf32, #tpu.memory_space<hbm>>
    tpu.enqueue_dma source(%dma_start3A_333 : memref<64x128xf32, #tpu.memory_space<hbm>>) target(%dma_start3A_330 : memref<64x128xf32, #tpu.memory_space<vmem>>) target_semaphore(%arg12 : memref<!tpu.dma_semaphore, #tpu.memory_space<semaphore_mem>>)
    %dma_wait3A = arith.constant 0 : i32
    %dma_wait3A_334 = arith.constant 0 : i32
    %dma_wait3A_335 = tpu.memref_slice %arg8[%dma_wait3A, %dma_wait3A_334] : memref<4x256xf32, #tpu.memory_space<vmem>> -> memref<1x256xf32, #tpu.memory_space<vmem>>
    %dma_wait3A_336 = tpu.memref_squeeze %dma_wait3A_335 : memref<1x256xf32, #tpu.memory_space<vmem>> -> memref<256xf32, #tpu.memory_space<vmem>>
    %dma_wait3A_337 = arith.constant 0 : i32
    %dma_wait3A_338 = tpu.memref_slice %arg3[%add3A_53, %dma_wait3A_337] : memref<131072x256xf32, #tpu.memory_space<hbm>> -> memref<1x256xf32, #tpu.memory_space<hbm>>
    %dma_wait3A_339 = tpu.memref_squeeze %dma_wait3A_338 : memref<1x256xf32, #tpu.memory_space<hbm>> -> memref<256xf32, #tpu.memory_space<hbm>>
    %dma_wait3A_340 = arith.constant 0 : i32
    %dma_wait3A_341 = tpu.memref_slice %arg8[%dma_wait3A, %dma_wait3A_340] : memref<4x256xf32, #tpu.memory_space<vmem>> -> memref<1x256xf32, #tpu.memory_space<vmem>>
    %dma_wait3A_342 = tpu.memref_squeeze %dma_wait3A_341 : memref<1x256xf32, #tpu.memory_space<vmem>> -> memref<256xf32, #tpu.memory_space<vmem>>
    %dma_wait3A_343 = arith.constant 0 : i32
    %dma_wait3A_344 = tpu.memref_slice %arg3[%add3A_53, %dma_wait3A_343] : memref<131072x256xf32, #tpu.memory_space<hbm>> -> memref<1x256xf32, #tpu.memory_space<hbm>>
    %dma_wait3A_345 = tpu.memref_squeeze %dma_wait3A_344 : memref<1x256xf32, #tpu.memory_space<hbm>> -> memref<256xf32, #tpu.memory_space<hbm>>
    tpu.wait_dma2 semaphore(%arg11 : memref<!tpu.dma_semaphore, #tpu.memory_space<semaphore_mem>>) src(%dma_wait3A_345 : memref<256xf32, #tpu.memory_space<hbm>>) dst(%dma_wait3A_342 : memref<256xf32, #tpu.memory_space<vmem>>)
    %dma_wait3A_346 = arith.constant 0 : i32
    %dma_wait3A_347 = arith.constant 0 : i32
    %dma_wait3A_348 = arith.constant 0 : i32
    %dma_wait3A_349 = tpu.memref_slice %arg10[%dma_wait3A_346, %dma_wait3A_347, %dma_wait3A_348] : memref<4x64x128xf32, #tpu.memory_space<vmem>> -> memref<1x64x128xf32, #tpu.memory_space<vmem>>
    %dma_wait3A_350 = tpu.memref_squeeze %dma_wait3A_349 : memref<1x64x128xf32, #tpu.memory_space<vmem>> -> memref<64x128xf32, #tpu.memory_space<vmem>>
    %dma_wait3A_351 = arith.constant 0 : i32
    %dma_wait3A_352 = tpu.memref_slice %arg4[%add3A_29, %dma_wait3A_351, %mul3A_49] : memref<64x64x2048xf32, #tpu.memory_space<hbm>> -> memref<1x64x128xf32, #tpu.memory_space<hbm>>
    %dma_wait3A_353 = tpu.memref_squeeze %dma_wait3A_352 : memref<1x64x128xf32, #tpu.memory_space<hbm>> -> memref<64x128xf32, #tpu.memory_space<hbm>>
    %dma_wait3A_354 = arith.constant 0 : i32
    %dma_wait3A_355 = arith.constant 0 : i32
    %dma_wait3A_356 = tpu.memref_slice %arg10[%dma_wait3A_346, %dma_wait3A_354, %dma_wait3A_355] : memref<4x64x128xf32, #tpu.memory_space<vmem>> -> memref<1x64x128xf32, #tpu.memory_space<vmem>>
    %dma_wait3A_357 = tpu.memref_squeeze %dma_wait3A_356 : memref<1x64x128xf32, #tpu.memory_space<vmem>> -> memref<64x128xf32, #tpu.memory_space<vmem>>
    %dma_wait3A_358 = arith.constant 0 : i32
    %dma_wait3A_359 = tpu.memref_slice %arg4[%add3A_29, %dma_wait3A_358, %mul3A_49] : memref<64x64x2048xf32, #tpu.memory_space<hbm>> -> memref<1x64x128xf32, #tpu.memory_space<hbm>>
    %dma_wait3A_360 = tpu.memref_squeeze %dma_wait3A_359 : memref<1x64x128xf32, #tpu.memory_space<hbm>> -> memref<64x128xf32, #tpu.memory_space<hbm>>
    tpu.wait_dma2 semaphore(%arg12 : memref<!tpu.dma_semaphore, #tpu.memory_space<semaphore_mem>>) src(%dma_wait3A_360 : memref<64x128xf32, #tpu.memory_space<hbm>>) dst(%dma_wait3A_357 : memref<64x128xf32, #tpu.memory_space<vmem>>)
    %dma_wait3A_361 = arith.constant 1 : i32
    %dma_wait3A_362 = arith.constant 0 : i32
    %dma_wait3A_363 = tpu.memref_slice %arg8[%dma_wait3A_361, %dma_wait3A_362] : memref<4x256xf32, #tpu.memory_space<vmem>> -> memref<1x256xf32, #tpu.memory_space<vmem>>
    %dma_wait3A_364 = tpu.memref_squeeze %dma_wait3A_363 : memref<1x256xf32, #tpu.memory_space<vmem>> -> memref<256xf32, #tpu.memory_space<vmem>>
    %dma_wait3A_365 = arith.constant 0 : i32
    %dma_wait3A_366 = tpu.memref_slice %arg3[%add3A_133, %dma_wait3A_365] : memref<131072x256xf32, #tpu.memory_space<hbm>> -> memref<1x256xf32, #tpu.memory_space<hbm>>
    %dma_wait3A_367 = tpu.memref_squeeze %dma_wait3A_366 : memref<1x256xf32, #tpu.memory_space<hbm>> -> memref<256xf32, #tpu.memory_space<hbm>>
    %dma_wait3A_368 = arith.constant 0 : i32
    %dma_wait3A_369 = tpu.memref_slice %arg8[%dma_wait3A_361, %dma_wait3A_368] : memref<4x256xf32, #tpu.memory_space<vmem>> -> memref<1x256xf32, #tpu.memory_space<vmem>>
    %dma_wait3A_370 = tpu.memref_squeeze %dma_wait3A_369 : memref<1x256xf32, #tpu.memory_space<vmem>> -> memref<256xf32, #tpu.memory_space<vmem>>
    %dma_wait3A_371 = arith.constant 0 : i32
    %dma_wait3A_372 = tpu.memref_slice %arg3[%add3A_133, %dma_wait3A_371] : memref<131072x256xf32, #tpu.memory_space<hbm>> -> memref<1x256xf32, #tpu.memory_space<hbm>>
    %dma_wait3A_373 = tpu.memref_squeeze %dma_wait3A_372 : memref<1x256xf32, #tpu.memory_space<hbm>> -> memref<256xf32, #tpu.memory_space<hbm>>
    tpu.wait_dma2 semaphore(%arg11 : memref<!tpu.dma_semaphore, #tpu.memory_space<semaphore_mem>>) src(%dma_wait3A_373 : memref<256xf32, #tpu.memory_space<hbm>>) dst(%dma_wait3A_370 : memref<256xf32, #tpu.memory_space<vmem>>)
    %dma_wait3A_374 = arith.constant 1 : i32
    %dma_wait3A_375 = arith.constant 0 : i32
    %dma_wait3A_376 = arith.constant 0 : i32
    %dma_wait3A_377 = tpu.memref_slice %arg10[%dma_wait3A_374, %dma_wait3A_375, %dma_wait3A_376] : memref<4x64x128xf32, #tpu.memory_space<vmem>> -> memref<1x64x128xf32, #tpu.memory_space<vmem>>
    %dma_wait3A_378 = tpu.memref_squeeze %dma_wait3A_377 : memref<1x64x128xf32, #tpu.memory_space<vmem>> -> memref<64x128xf32, #tpu.memory_space<vmem>>
    %dma_wait3A_379 = arith.constant 0 : i32
    %dma_wait3A_380 = tpu.memref_slice %arg4[%add3A_103, %dma_wait3A_379, %mul3A_129] : memref<64x64x2048xf32, #tpu.memory_space<hbm>> -> memref<1x64x128xf32, #tpu.memory_space<hbm>>
    %dma_wait3A_381 = tpu.memref_squeeze %dma_wait3A_380 : memref<1x64x128xf32, #tpu.memory_space<hbm>> -> memref<64x128xf32, #tpu.memory_space<hbm>>
    %dma_wait3A_382 = arith.constant 0 : i32
    %dma_wait3A_383 = arith.constant 0 : i32
    %dma_wait3A_384 = tpu.memref_slice %arg10[%dma_wait3A_374, %dma_wait3A_382, %dma_wait3A_383] : memref<4x64x128xf32, #tpu.memory_space<vmem>> -> memref<1x64x128xf32, #tpu.memory_space<vmem>>
    %dma_wait3A_385 = tpu.memref_squeeze %dma_wait3A_384 : memref<1x64x128xf32, #tpu.memory_space<vmem>> -> memref<64x128xf32, #tpu.memory_space<vmem>>
    %dma_wait3A_386 = arith.constant 0 : i32
    %dma_wait3A_387 = tpu.memref_slice %arg4[%add3A_103, %dma_wait3A_386, %mul3A_129] : memref<64x64x2048xf32, #tpu.memory_space<hbm>> -> memref<1x64x128xf32, #tpu.memory_space<hbm>>
    %dma_wait3A_388 = tpu.memref_squeeze %dma_wait3A_387 : memref<1x64x128xf32, #tpu.memory_space<hbm>> -> memref<64x128xf32, #tpu.memory_space<hbm>>
    tpu.wait_dma2 semaphore(%arg12 : memref<!tpu.dma_semaphore, #tpu.memory_space<semaphore_mem>>) src(%dma_wait3A_388 : memref<64x128xf32, #tpu.memory_space<hbm>>) dst(%dma_wait3A_385 : memref<64x128xf32, #tpu.memory_space<vmem>>)
    %dma_wait3A_389 = arith.constant 2 : i32
    %dma_wait3A_390 = arith.constant 0 : i32
    %dma_wait3A_391 = tpu.memref_slice %arg8[%dma_wait3A_389, %dma_wait3A_390] : memref<4x256xf32, #tpu.memory_space<vmem>> -> memref<1x256xf32, #tpu.memory_space<vmem>>
    %dma_wait3A_392 = tpu.memref_squeeze %dma_wait3A_391 : memref<1x256xf32, #tpu.memory_space<vmem>> -> memref<256xf32, #tpu.memory_space<vmem>>
    %dma_wait3A_393 = arith.constant 0 : i32
    %dma_wait3A_394 = tpu.memref_slice %arg3[%add3A_224, %dma_wait3A_393] : memref<131072x256xf32, #tpu.memory_space<hbm>> -> memref<1x256xf32, #tpu.memory_space<hbm>>
    %dma_wait3A_395 = tpu.memref_squeeze %dma_wait3A_394 : memref<1x256xf32, #tpu.memory_space<hbm>> -> memref<256xf32, #tpu.memory_space<hbm>>
    %dma_wait3A_396 = arith.constant 0 : i32
    %dma_wait3A_397 = tpu.memref_slice %arg8[%dma_wait3A_389, %dma_wait3A_396] : memref<4x256xf32, #tpu.memory_space<vmem>> -> memref<1x256xf32, #tpu.memory_space<vmem>>
    %dma_wait3A_398 = tpu.memref_squeeze %dma_wait3A_397 : memref<1x256xf32, #tpu.memory_space<vmem>> -> memref<256xf32, #tpu.memory_space<vmem>>
    %dma_wait3A_399 = arith.constant 0 : i32
    %dma_wait3A_400 = tpu.memref_slice %arg3[%add3A_224, %dma_wait3A_399] : memref<131072x256xf32, #tpu.memory_space<hbm>> -> memref<1x256xf32, #tpu.memory_space<hbm>>
    %dma_wait3A_401 = tpu.memref_squeeze %dma_wait3A_400 : memref<1x256xf32, #tpu.memory_space<hbm>> -> memref<256xf32, #tpu.memory_space<hbm>>
    tpu.wait_dma2 semaphore(%arg11 : memref<!tpu.dma_semaphore, #tpu.memory_space<semaphore_mem>>) src(%dma_wait3A_401 : memref<256xf32, #tpu.memory_space<hbm>>) dst(%dma_wait3A_398 : memref<256xf32, #tpu.memory_space<vmem>>)
    %dma_wait3A_402 = arith.constant 2 : i32
    %dma_wait3A_403 = arith.constant 0 : i32
    %dma_wait3A_404 = arith.constant 0 : i32
    %dma_wait3A_405 = tpu.memref_slice %arg10[%dma_wait3A_402, %dma_wait3A_403, %dma_wait3A_404] : memref<4x64x128xf32, #tpu.memory_space<vmem>> -> memref<1x64x128xf32, #tpu.memory_space<vmem>>
    %dma_wait3A_406 = tpu.memref_squeeze %dma_wait3A_405 : memref<1x64x128xf32, #tpu.memory_space<vmem>> -> memref<64x128xf32, #tpu.memory_space<vmem>>
    %dma_wait3A_407 = arith.constant 0 : i32
    %dma_wait3A_408 = tpu.memref_slice %arg4[%add3A_194, %dma_wait3A_407, %mul3A_220] : memref<64x64x2048xf32, #tpu.memory_space<hbm>> -> memref<1x64x128xf32, #tpu.memory_space<hbm>>
    %dma_wait3A_409 = tpu.memref_squeeze %dma_wait3A_408 : memref<1x64x128xf32, #tpu.memory_space<hbm>> -> memref<64x128xf32, #tpu.memory_space<hbm>>
    %dma_wait3A_410 = arith.constant 0 : i32
    %dma_wait3A_411 = arith.constant 0 : i32
    %dma_wait3A_412 = tpu.memref_slice %arg10[%dma_wait3A_402, %dma_wait3A_410, %dma_wait3A_411] : memref<4x64x128xf32, #tpu.memory_space<vmem>> -> memref<1x64x128xf32, #tpu.memory_space<vmem>>
    %dma_wait3A_413 = tpu.memref_squeeze %dma_wait3A_412 : memref<1x64x128xf32, #tpu.memory_space<vmem>> -> memref<64x128xf32, #tpu.memory_space<vmem>>
    %dma_wait3A_414 = arith.constant 0 : i32
    %dma_wait3A_415 = tpu.memref_slice %arg4[%add3A_194, %dma_wait3A_414, %mul3A_220] : memref<64x64x2048xf32, #tpu.memory_space<hbm>> -> memref<1x64x128xf32, #tpu.memory_space<hbm>>
    %dma_wait3A_416 = tpu.memref_squeeze %dma_wait3A_415 : memref<1x64x128xf32, #tpu.memory_space<hbm>> -> memref<64x128xf32, #tpu.memory_space<hbm>>
    tpu.wait_dma2 semaphore(%arg12 : memref<!tpu.dma_semaphore, #tpu.memory_space<semaphore_mem>>) src(%dma_wait3A_416 : memref<64x128xf32, #tpu.memory_space<hbm>>) dst(%dma_wait3A_413 : memref<64x128xf32, #tpu.memory_space<vmem>>)
    %dma_wait3A_417 = arith.constant 3 : i32
    %dma_wait3A_418 = arith.constant 0 : i32
    %dma_wait3A_419 = tpu.memref_slice %arg8[%dma_wait3A_417, %dma_wait3A_418] : memref<4x256xf32, #tpu.memory_space<vmem>> -> memref<1x256xf32, #tpu.memory_space<vmem>>
    %dma_wait3A_420 = tpu.memref_squeeze %dma_wait3A_419 : memref<1x256xf32, #tpu.memory_space<vmem>> -> memref<256xf32, #tpu.memory_space<vmem>>
    %dma_wait3A_421 = arith.constant 0 : i32
    %dma_wait3A_422 = tpu.memref_slice %arg3[%add3A_305, %dma_wait3A_421] : memref<131072x256xf32, #tpu.memory_space<hbm>> -> memref<1x256xf32, #tpu.memory_space<hbm>>
    %dma_wait3A_423 = tpu.memref_squeeze %dma_wait3A_422 : memref<1x256xf32, #tpu.memory_space<hbm>> -> memref<256xf32, #tpu.memory_space<hbm>>
    %dma_wait3A_424 = arith.constant 0 : i32
    %dma_wait3A_425 = tpu.memref_slice %arg8[%dma_wait3A_417, %dma_wait3A_424] : memref<4x256xf32, #tpu.memory_space<vmem>> -> memref<1x256xf32, #tpu.memory_space<vmem>>
    %dma_wait3A_426 = tpu.memref_squeeze %dma_wait3A_425 : memref<1x256xf32, #tpu.memory_space<vmem>> -> memref<256xf32, #tpu.memory_space<vmem>>
    %dma_wait3A_427 = arith.constant 0 : i32
    %dma_wait3A_428 = tpu.memref_slice %arg3[%add3A_305, %dma_wait3A_427] : memref<131072x256xf32, #tpu.memory_space<hbm>> -> memref<1x256xf32, #tpu.memory_space<hbm>>
    %dma_wait3A_429 = tpu.memref_squeeze %dma_wait3A_428 : memref<1x256xf32, #tpu.memory_space<hbm>> -> memref<256xf32, #tpu.memory_space<hbm>>
    tpu.wait_dma2 semaphore(%arg11 : memref<!tpu.dma_semaphore, #tpu.memory_space<semaphore_mem>>) src(%dma_wait3A_429 : memref<256xf32, #tpu.memory_space<hbm>>) dst(%dma_wait3A_426 : memref<256xf32, #tpu.memory_space<vmem>>)
    %dma_wait3A_430 = arith.constant 3 : i32
    %dma_wait3A_431 = arith.constant 0 : i32
    %dma_wait3A_432 = arith.constant 0 : i32
    %dma_wait3A_433 = tpu.memref_slice %arg10[%dma_wait3A_430, %dma_wait3A_431, %dma_wait3A_432] : memref<4x64x128xf32, #tpu.memory_space<vmem>> -> memref<1x64x128xf32, #tpu.memory_space<vmem>>
    %dma_wait3A_434 = tpu.memref_squeeze %dma_wait3A_433 : memref<1x64x128xf32, #tpu.memory_space<vmem>> -> memref<64x128xf32, #tpu.memory_space<vmem>>
    %dma_wait3A_435 = arith.constant 0 : i32
    %dma_wait3A_436 = tpu.memref_slice %arg4[%add3A_275, %dma_wait3A_435, %mul3A_301] : memref<64x64x2048xf32, #tpu.memory_space<hbm>> -> memref<1x64x128xf32, #tpu.memory_space<hbm>>
    %dma_wait3A_437 = tpu.memref_squeeze %dma_wait3A_436 : memref<1x64x128xf32, #tpu.memory_space<hbm>> -> memref<64x128xf32, #tpu.memory_space<hbm>>
    %dma_wait3A_438 = arith.constant 0 : i32
    %dma_wait3A_439 = arith.constant 0 : i32
    %dma_wait3A_440 = tpu.memref_slice %arg10[%dma_wait3A_430, %dma_wait3A_438, %dma_wait3A_439] : memref<4x64x128xf32, #tpu.memory_space<vmem>> -> memref<1x64x128xf32, #tpu.memory_space<vmem>>
    %dma_wait3A_441 = tpu.memref_squeeze %dma_wait3A_440 : memref<1x64x128xf32, #tpu.memory_space<vmem>> -> memref<64x128xf32, #tpu.memory_space<vmem>>
    %dma_wait3A_442 = arith.constant 0 : i32
    %dma_wait3A_443 = tpu.memref_slice %arg4[%add3A_275, %dma_wait3A_442, %mul3A_301] : memref<64x64x2048xf32, #tpu.memory_space<hbm>> -> memref<1x64x128xf32, #tpu.memory_space<hbm>>
    %dma_wait3A_444 = tpu.memref_squeeze %dma_wait3A_443 : memref<1x64x128xf32, #tpu.memory_space<hbm>> -> memref<64x128xf32, #tpu.memory_space<hbm>>
    tpu.wait_dma2 semaphore(%arg12 : memref<!tpu.dma_semaphore, #tpu.memory_space<semaphore_mem>>) src(%dma_wait3A_444 : memref<64x128xf32, #tpu.memory_space<hbm>>) dst(%dma_wait3A_441 : memref<64x128xf32, #tpu.memory_space<vmem>>)
    %broadcast_in_dim3A_445 = vector.broadcast %sub3A_50 : i32 to vector<16xi32>
    %broadcast_in_dim3A_446 = arith.constant 0 : i32
    %broadcast_in_dim3A_447 = vector.broadcast %broadcast_in_dim3A_446 : i32 to vector<16xi32>
    %add3A_448 = arith.constant 0 : i32
    %add3A_449 = vector.broadcast %add3A_448 : i32 to vector<16xi32>
    %add3A_450 = arith.addi %add3A_449, %iota3A : vector<16xi32>
    %gather3A = tpu.vector_load_idx %arg10[%broadcast_in_dim3A_447, %add3A_450, %broadcast_in_dim3A_445] : memref<4x64x128xf32, #tpu.memory_space<vmem>>[vector<16xi32>, vector<16xi32>, vector<16xi32>], vector<16xf32>,
    %swap3A = arith.constant 0 : i32
    %swap3A_451 = arith.index_cast %swap3A : i32 to index
    %swap3A_452 = arith.constant 0 : index
    %swap3A_453 = tpu.vector_load %arg9[%swap3A_451, %swap3A_452] {strides = array<i32>} : memref<4x64xf32, #tpu.memory_space<vmem>>, vector<16xf32>,
    tpu.vector_store %arg9[%swap3A_451, %swap3A_452], %gather3A {strides = array<i32>} : memref<4x64xf32, #tpu.memory_space<vmem>>, vector<16xf32>,
    %broadcast_in_dim3A_454 = arith.constant 0 : i32
    %broadcast_in_dim3A_455 = vector.broadcast %broadcast_in_dim3A_454 : i32 to vector<16xi32>
    %add3A_456 = arith.constant 16 : i32
    %add3A_457 = vector.broadcast %add3A_456 : i32 to vector<16xi32>
    %add3A_458 = arith.addi %add3A_457, %iota3A : vector<16xi32>
    %gather3A_459 = tpu.vector_load_idx %arg10[%broadcast_in_dim3A_455, %add3A_458, %broadcast_in_dim3A_445] : memref<4x64x128xf32, #tpu.memory_space<vmem>>[vector<16xi32>, vector<16xi32>, vector<16xi32>], vector<16xf32>,
    %swap3A_460 = arith.constant 0 : i32
    %swap3A_461 = arith.index_cast %swap3A_460 : i32 to index
    %swap3A_462 = arith.constant 16 : index
    %swap3A_463 = tpu.vector_load %arg9[%swap3A_461, %swap3A_462] {strides = array<i32>} : memref<4x64xf32, #tpu.memory_space<vmem>>, vector<16xf32>,
    tpu.vector_store %arg9[%swap3A_461, %swap3A_462], %gather3A_459 {strides = array<i32>} : memref<4x64xf32, #tpu.memory_space<vmem>>, vector<16xf32>,
    %broadcast_in_dim3A_464 = arith.constant 0 : i32
    %broadcast_in_dim3A_465 = vector.broadcast %broadcast_in_dim3A_464 : i32 to vector<16xi32>
    %add3A_466 = arith.constant 32 : i32
    %add3A_467 = vector.broadcast %add3A_466 : i32 to vector<16xi32>
    %add3A_468 = arith.addi %add3A_467, %iota3A : vector<16xi32>
    %gather3A_469 = tpu.vector_load_idx %arg10[%broadcast_in_dim3A_465, %add3A_468, %broadcast_in_dim3A_445] : memref<4x64x128xf32, #tpu.memory_space<vmem>>[vector<16xi32>, vector<16xi32>, vector<16xi32>], vector<16xf32>,
    %swap3A_470 = arith.constant 0 : i32
    %swap3A_471 = arith.index_cast %swap3A_470 : i32 to index
    %swap3A_472 = arith.constant 32 : index
    %swap3A_473 = tpu.vector_load %arg9[%swap3A_471, %swap3A_472] {strides = array<i32>} : memref<4x64xf32, #tpu.memory_space<vmem>>, vector<16xf32>,
    tpu.vector_store %arg9[%swap3A_471, %swap3A_472], %gather3A_469 {strides = array<i32>} : memref<4x64xf32, #tpu.memory_space<vmem>>, vector<16xf32>,
    %broadcast_in_dim3A_474 = arith.constant 0 : i32
    %broadcast_in_dim3A_475 = vector.broadcast %broadcast_in_dim3A_474 : i32 to vector<16xi32>
    %add3A_476 = arith.constant 48 : i32
    %add3A_477 = vector.broadcast %add3A_476 : i32 to vector<16xi32>
    %add3A_478 = arith.addi %add3A_477, %iota3A : vector<16xi32>
    %gather3A_479 = tpu.vector_load_idx %arg10[%broadcast_in_dim3A_475, %add3A_478, %broadcast_in_dim3A_445] : memref<4x64x128xf32, #tpu.memory_space<vmem>>[vector<16xi32>, vector<16xi32>, vector<16xi32>], vector<16xf32>,
    %swap3A_480 = arith.constant 0 : i32
    %swap3A_481 = arith.index_cast %swap3A_480 : i32 to index
    %swap3A_482 = arith.constant 48 : index
    %swap3A_483 = tpu.vector_load %arg9[%swap3A_481, %swap3A_482] {strides = array<i32>} : memref<4x64xf32, #tpu.memory_space<vmem>>, vector<16xf32>,
    tpu.vector_store %arg9[%swap3A_481, %swap3A_482], %gather3A_479 {strides = array<i32>} : memref<4x64xf32, #tpu.memory_space<vmem>>, vector<16xf32>,
    %broadcast_in_dim3A_484 = vector.broadcast %sub3A_130 : i32 to vector<16xi32>
    %broadcast_in_dim3A_485 = arith.constant 1 : i32
    %broadcast_in_dim3A_486 = vector.broadcast %broadcast_in_dim3A_485 : i32 to vector<16xi32>
    %add3A_487 = arith.constant 0 : i32
    %add3A_488 = vector.broadcast %add3A_487 : i32 to vector<16xi32>
    %add3A_489 = arith.addi %add3A_488, %iota3A : vector<16xi32>
    %gather3A_490 = tpu.vector_load_idx %arg10[%broadcast_in_dim3A_486, %add3A_489, %broadcast_in_dim3A_484] : memref<4x64x128xf32, #tpu.memory_space<vmem>>[vector<16xi32>, vector<16xi32>, vector<16xi32>], vector<16xf32>,
    %swap3A_491 = arith.constant 1 : i32
    %swap3A_492 = arith.index_cast %swap3A_491 : i32 to index
    %swap3A_493 = arith.constant 0 : index
    %swap3A_494 = tpu.vector_load %arg9[%swap3A_492, %swap3A_493] {strides = array<i32>} : memref<4x64xf32, #tpu.memory_space<vmem>>, vector<16xf32>,
    tpu.vector_store %arg9[%swap3A_492, %swap3A_493], %gather3A_490 {strides = array<i32>} : memref<4x64xf32, #tpu.memory_space<vmem>>, vector<16xf32>,
    %broadcast_in_dim3A_495 = arith.constant 1 : i32
    %broadcast_in_dim3A_496 = vector.broadcast %broadcast_in_dim3A_495 : i32 to vector<16xi32>
    %add3A_497 = arith.constant 16 : i32
    %add3A_498 = vector.broadcast %add3A_497 : i32 to vector<16xi32>
    %add3A_499 = arith.addi %add3A_498, %iota3A : vector<16xi32>
    %gather3A_500 = tpu.vector_load_idx %arg10[%broadcast_in_dim3A_496, %add3A_499, %broadcast_in_dim3A_484] : memref<4x64x128xf32, #tpu.memory_space<vmem>>[vector<16xi32>, vector<16xi32>, vector<16xi32>], vector<16xf32>,
    %swap3A_501 = arith.constant 1 : i32
    %swap3A_502 = arith.index_cast %swap3A_501 : i32 to index
    %swap3A_503 = arith.constant 16 : index
    %swap3A_504 = tpu.vector_load %arg9[%swap3A_502, %swap3A_503] {strides = array<i32>} : memref<4x64xf32, #tpu.memory_space<vmem>>, vector<16xf32>,
    tpu.vector_store %arg9[%swap3A_502, %swap3A_503], %gather3A_500 {strides = array<i32>} : memref<4x64xf32, #tpu.memory_space<vmem>>, vector<16xf32>,
    %broadcast_in_dim3A_505 = arith.constant 1 : i32
    %broadcast_in_dim3A_506 = vector.broadcast %broadcast_in_dim3A_505 : i32 to vector<16xi32>
    %add3A_507 = arith.constant 32 : i32
    %add3A_508 = vector.broadcast %add3A_507 : i32 to vector<16xi32>
    %add3A_509 = arith.addi %add3A_508, %iota3A : vector<16xi32>
    %gather3A_510 = tpu.vector_load_idx %arg10[%broadcast_in_dim3A_506, %add3A_509, %broadcast_in_dim3A_484] : memref<4x64x128xf32, #tpu.memory_space<vmem>>[vector<16xi32>, vector<16xi32>, vector<16xi32>], vector<16xf32>,
    %swap3A_511 = arith.constant 1 : i32
    %swap3A_512 = arith.index_cast %swap3A_511 : i32 to index
    %swap3A_513 = arith.constant 32 : index
    %swap3A_514 = tpu.vector_load %arg9[%swap3A_512, %swap3A_513] {strides = array<i32>} : memref<4x64xf32, #tpu.memory_space<vmem>>, vector<16xf32>,
    tpu.vector_store %arg9[%swap3A_512, %swap3A_513], %gather3A_510 {strides = array<i32>} : memref<4x64xf32, #tpu.memory_space<vmem>>, vector<16xf32>,
    %broadcast_in_dim3A_515 = arith.constant 1 : i32
    %broadcast_in_dim3A_516 = vector.broadcast %broadcast_in_dim3A_515 : i32 to vector<16xi32>
    %add3A_517 = arith.constant 48 : i32
    %add3A_518 = vector.broadcast %add3A_517 : i32 to vector<16xi32>
    %add3A_519 = arith.addi %add3A_518, %iota3A : vector<16xi32>
    %gather3A_520 = tpu.vector_load_idx %arg10[%broadcast_in_dim3A_516, %add3A_519, %broadcast_in_dim3A_484] : memref<4x64x128xf32, #tpu.memory_space<vmem>>[vector<16xi32>, vector<16xi32>, vector<16xi32>], vector<16xf32>,
    %swap3A_521 = arith.constant 1 : i32
    %swap3A_522 = arith.index_cast %swap3A_521 : i32 to index
    %swap3A_523 = arith.constant 48 : index
    %swap3A_524 = tpu.vector_load %arg9[%swap3A_522, %swap3A_523] {strides = array<i32>} : memref<4x64xf32, #tpu.memory_space<vmem>>, vector<16xf32>,
    tpu.vector_store %arg9[%swap3A_522, %swap3A_523], %gather3A_520 {strides = array<i32>} : memref<4x64xf32, #tpu.memory_space<vmem>>, vector<16xf32>,
    %broadcast_in_dim3A_525 = vector.broadcast %sub3A_221 : i32 to vector<16xi32>
    %broadcast_in_dim3A_526 = arith.constant 2 : i32
    %broadcast_in_dim3A_527 = vector.broadcast %broadcast_in_dim3A_526 : i32 to vector<16xi32>
    %add3A_528 = arith.constant 0 : i32
    %add3A_529 = vector.broadcast %add3A_528 : i32 to vector<16xi32>
    %add3A_530 = arith.addi %add3A_529, %iota3A : vector<16xi32>
    %gather3A_531 = tpu.vector_load_idx %arg10[%broadcast_in_dim3A_527, %add3A_530, %broadcast_in_dim3A_525] : memref<4x64x128xf32, #tpu.memory_space<vmem>>[vector<16xi32>, vector<16xi32>, vector<16xi32>], vector<16xf32>,
    %swap3A_532 = arith.constant 2 : i32
    %swap3A_533 = arith.index_cast %swap3A_532 : i32 to index
    %swap3A_534 = arith.constant 0 : index
    %swap3A_535 = tpu.vector_load %arg9[%swap3A_533, %swap3A_534] {strides = array<i32>} : memref<4x64xf32, #tpu.memory_space<vmem>>, vector<16xf32>,
    tpu.vector_store %arg9[%swap3A_533, %swap3A_534], %gather3A_531 {strides = array<i32>} : memref<4x64xf32, #tpu.memory_space<vmem>>, vector<16xf32>,
    %broadcast_in_dim3A_536 = arith.constant 2 : i32
    %broadcast_in_dim3A_537 = vector.broadcast %broadcast_in_dim3A_536 : i32 to vector<16xi32>
    %add3A_538 = arith.constant 16 : i32
    %add3A_539 = vector.broadcast %add3A_538 : i32 to vector<16xi32>
    %add3A_540 = arith.addi %add3A_539, %iota3A : vector<16xi32>
    %gather3A_541 = tpu.vector_load_idx %arg10[%broadcast_in_dim3A_537, %add3A_540, %broadcast_in_dim3A_525] : memref<4x64x128xf32, #tpu.memory_space<vmem>>[vector<16xi32>, vector<16xi32>, vector<16xi32>], vector<16xf32>,
    %swap3A_542 = arith.constant 2 : i32
    %swap3A_543 = arith.index_cast %swap3A_542 : i32 to index
    %swap3A_544 = arith.constant 16 : index
    %swap3A_545 = tpu.vector_load %arg9[%swap3A_543, %swap3A_544] {strides = array<i32>} : memref<4x64xf32, #tpu.memory_space<vmem>>, vector<16xf32>,
    tpu.vector_store %arg9[%swap3A_543, %swap3A_544], %gather3A_541 {strides = array<i32>} : memref<4x64xf32, #tpu.memory_space<vmem>>, vector<16xf32>,
    %broadcast_in_dim3A_546 = arith.constant 2 : i32
    %broadcast_in_dim3A_547 = vector.broadcast %broadcast_in_dim3A_546 : i32 to vector<16xi32>
    %add3A_548 = arith.constant 32 : i32
    %add3A_549 = vector.broadcast %add3A_548 : i32 to vector<16xi32>
    %add3A_550 = arith.addi %add3A_549, %iota3A : vector<16xi32>
    %gather3A_551 = tpu.vector_load_idx %arg10[%broadcast_in_dim3A_547, %add3A_550, %broadcast_in_dim3A_525] : memref<4x64x128xf32, #tpu.memory_space<vmem>>[vector<16xi32>, vector<16xi32>, vector<16xi32>], vector<16xf32>,
    %swap3A_552 = arith.constant 2 : i32
    %swap3A_553 = arith.index_cast %swap3A_552 : i32 to index
    %swap3A_554 = arith.constant 32 : index
    %swap3A_555 = tpu.vector_load %arg9[%swap3A_553, %swap3A_554] {strides = array<i32>} : memref<4x64xf32, #tpu.memory_space<vmem>>, vector<16xf32>,
    tpu.vector_store %arg9[%swap3A_553, %swap3A_554], %gather3A_551 {strides = array<i32>} : memref<4x64xf32, #tpu.memory_space<vmem>>, vector<16xf32>,
    %broadcast_in_dim3A_556 = arith.constant 2 : i32
    %broadcast_in_dim3A_557 = vector.broadcast %broadcast_in_dim3A_556 : i32 to vector<16xi32>
    %add3A_558 = arith.constant 48 : i32
    %add3A_559 = vector.broadcast %add3A_558 : i32 to vector<16xi32>
    %add3A_560 = arith.addi %add3A_559, %iota3A : vector<16xi32>
    %gather3A_561 = tpu.vector_load_idx %arg10[%broadcast_in_dim3A_557, %add3A_560, %broadcast_in_dim3A_525] : memref<4x64x128xf32, #tpu.memory_space<vmem>>[vector<16xi32>, vector<16xi32>, vector<16xi32>], vector<16xf32>,
    %swap3A_562 = arith.constant 2 : i32
    %swap3A_563 = arith.index_cast %swap3A_562 : i32 to index
    %swap3A_564 = arith.constant 48 : index
    %swap3A_565 = tpu.vector_load %arg9[%swap3A_563, %swap3A_564] {strides = array<i32>} : memref<4x64xf32, #tpu.memory_space<vmem>>, vector<16xf32>,
    tpu.vector_store %arg9[%swap3A_563, %swap3A_564], %gather3A_561 {strides = array<i32>} : memref<4x64xf32, #tpu.memory_space<vmem>>, vector<16xf32>,
    %broadcast_in_dim3A_566 = vector.broadcast %sub3A_302 : i32 to vector<16xi32>
    %broadcast_in_dim3A_567 = arith.constant 3 : i32
    %broadcast_in_dim3A_568 = vector.broadcast %broadcast_in_dim3A_567 : i32 to vector<16xi32>
    %add3A_569 = arith.constant 0 : i32
    %add3A_570 = vector.broadcast %add3A_569 : i32 to vector<16xi32>
    %add3A_571 = arith.addi %add3A_570, %iota3A : vector<16xi32>
    %gather3A_572 = tpu.vector_load_idx %arg10[%broadcast_in_dim3A_568, %add3A_571, %broadcast_in_dim3A_566] : memref<4x64x128xf32, #tpu.memory_space<vmem>>[vector<16xi32>, vector<16xi32>, vector<16xi32>], vector<16xf32>,
    %swap3A_573 = arith.constant 3 : i32
    %swap3A_574 = arith.index_cast %swap3A_573 : i32 to index
    %swap3A_575 = arith.constant 0 : index
    %swap3A_576 = tpu.vector_load %arg9[%swap3A_574, %swap3A_575] {strides = array<i32>} : memref<4x64xf32, #tpu.memory_space<vmem>>, vector<16xf32>,
    tpu.vector_store %arg9[%swap3A_574, %swap3A_575], %gather3A_572 {strides = array<i32>} : memref<4x64xf32, #tpu.memory_space<vmem>>, vector<16xf32>,
    %broadcast_in_dim3A_577 = arith.constant 3 : i32
    %broadcast_in_dim3A_578 = vector.broadcast %broadcast_in_dim3A_577 : i32 to vector<16xi32>
    %add3A_579 = arith.constant 16 : i32
    %add3A_580 = vector.broadcast %add3A_579 : i32 to vector<16xi32>
    %add3A_581 = arith.addi %add3A_580, %iota3A : vector<16xi32>
    %gather3A_582 = tpu.vector_load_idx %arg10[%broadcast_in_dim3A_578, %add3A_581, %broadcast_in_dim3A_566] : memref<4x64x128xf32, #tpu.memory_space<vmem>>[vector<16xi32>, vector<16xi32>, vector<16xi32>], vector<16xf32>,
    %swap3A_583 = arith.constant 3 : i32
    %swap3A_584 = arith.index_cast %swap3A_583 : i32 to index
    %swap3A_585 = arith.constant 16 : index
    %swap3A_586 = tpu.vector_load %arg9[%swap3A_584, %swap3A_585] {strides = array<i32>} : memref<4x64xf32, #tpu.memory_space<vmem>>, vector<16xf32>,
    tpu.vector_store %arg9[%swap3A_584, %swap3A_585], %gather3A_582 {strides = array<i32>} : memref<4x64xf32, #tpu.memory_space<vmem>>, vector<16xf32>,
    %broadcast_in_dim3A_587 = arith.constant 3 : i32
    %broadcast_in_dim3A_588 = vector.broadcast %broadcast_in_dim3A_587 : i32 to vector<16xi32>
    %add3A_589 = arith.constant 32 : i32
    %add3A_590 = vector.broadcast %add3A_589 : i32 to vector<16xi32>
    %add3A_591 = arith.addi %add3A_590, %iota3A : vector<16xi32>
    %gather3A_592 = tpu.vector_load_idx %arg10[%broadcast_in_dim3A_588, %add3A_591, %broadcast_in_dim3A_566] : memref<4x64x128xf32, #tpu.memory_space<vmem>>[vector<16xi32>, vector<16xi32>, vector<16xi32>], vector<16xf32>,
    %swap3A_593 = arith.constant 3 : i32
    %swap3A_594 = arith.index_cast %swap3A_593 : i32 to index
    %swap3A_595 = arith.constant 32 : index
    %swap3A_596 = tpu.vector_load %arg9[%swap3A_594, %swap3A_595] {strides = array<i32>} : memref<4x64xf32, #tpu.memory_space<vmem>>, vector<16xf32>,
    tpu.vector_store %arg9[%swap3A_594, %swap3A_595], %gather3A_592 {strides = array<i32>} : memref<4x64xf32, #tpu.memory_space<vmem>>, vector<16xf32>,
    %broadcast_in_dim3A_597 = arith.constant 3 : i32
    %broadcast_in_dim3A_598 = vector.broadcast %broadcast_in_dim3A_597 : i32 to vector<16xi32>
    %add3A_599 = arith.constant 48 : i32
    %add3A_600 = vector.broadcast %add3A_599 : i32 to vector<16xi32>
    %add3A_601 = arith.addi %add3A_600, %iota3A : vector<16xi32>
    %gather3A_602 = tpu.vector_load_idx %arg10[%broadcast_in_dim3A_598, %add3A_601, %broadcast_in_dim3A_566] : memref<4x64x128xf32, #tpu.memory_space<vmem>>[vector<16xi32>, vector<16xi32>, vector<16xi32>], vector<16xf32>,
    %swap3A_603 = arith.constant 3 : i32
    %swap3A_604 = arith.index_cast %swap3A_603 : i32 to index
    %swap3A_605 = arith.constant 48 : index
    %swap3A_606 = tpu.vector_load %arg9[%swap3A_604, %swap3A_605] {strides = array<i32>} : memref<4x64xf32, #tpu.memory_space<vmem>>, vector<16xf32>,
    tpu.vector_store %arg9[%swap3A_604, %swap3A_605], %gather3A_602 {strides = array<i32>} : memref<4x64xf32, #tpu.memory_space<vmem>>, vector<16xf32>,
    %dma_start3A_607 = arith.constant 0 : i32
    %dma_start3A_608 = tpu.memref_slice %arg5[%mul3A_2, %dma_start3A_607] : memref<64x256xf32, #tpu.memory_space<hbm>> -> memref<4x256xf32, #tpu.memory_space<hbm>>
    %dma_start3A_609 = arith.constant 0 : i32
    %dma_start3A_610 = tpu.memref_slice %arg5[%mul3A_2, %dma_start3A_609] : memref<64x256xf32, #tpu.memory_space<hbm>> -> memref<4x256xf32, #tpu.memory_space<hbm>>
    tpu.enqueue_dma source(%arg8 : memref<4x256xf32, #tpu.memory_space<vmem>>) target(%dma_start3A_610 : memref<4x256xf32, #tpu.memory_space<hbm>>) target_semaphore(%arg11 : memref<!tpu.dma_semaphore, #tpu.memory_space<semaphore_mem>>)
    %dma_start3A_611 = arith.constant 0 : i32
    %dma_start3A_612 = tpu.memref_slice %arg6[%mul3A_2, %dma_start3A_611] : memref<64x64xf32, #tpu.memory_space<hbm>> -> memref<4x64xf32, #tpu.memory_space<hbm>>
    %dma_start3A_613 = arith.constant 0 : i32
    %dma_start3A_614 = tpu.memref_slice %arg6[%mul3A_2, %dma_start3A_613] : memref<64x64xf32, #tpu.memory_space<hbm>> -> memref<4x64xf32, #tpu.memory_space<hbm>>
    tpu.enqueue_dma source(%arg9 : memref<4x64xf32, #tpu.memory_space<vmem>>) target(%dma_start3A_614 : memref<4x64xf32, #tpu.memory_space<hbm>>) target_semaphore(%arg12 : memref<!tpu.dma_semaphore, #tpu.memory_space<semaphore_mem>>)
    %dma_wait3A_615 = arith.constant 0 : i32
    %dma_wait3A_616 = tpu.memref_slice %arg5[%mul3A_2, %dma_wait3A_615] : memref<64x256xf32, #tpu.memory_space<hbm>> -> memref<4x256xf32, #tpu.memory_space<hbm>>
    %dma_wait3A_617 = arith.constant 0 : i32
    %dma_wait3A_618 = tpu.memref_slice %arg5[%mul3A_2, %dma_wait3A_617] : memref<64x256xf32, #tpu.memory_space<hbm>> -> memref<4x256xf32, #tpu.memory_space<hbm>>
    tpu.wait_dma2 semaphore(%arg11 : memref<!tpu.dma_semaphore, #tpu.memory_space<semaphore_mem>>) src(%arg8 : memref<4x256xf32, #tpu.memory_space<vmem>>) dst(%dma_wait3A_618 : memref<4x256xf32, #tpu.memory_space<hbm>>)
    %dma_wait3A_619 = arith.constant 0 : i32
    %dma_wait3A_620 = tpu.memref_slice %arg6[%mul3A_2, %dma_wait3A_619] : memref<64x64xf32, #tpu.memory_space<hbm>> -> memref<4x64xf32, #tpu.memory_space<hbm>>
    %dma_wait3A_621 = arith.constant 0 : i32
    %dma_wait3A_622 = tpu.memref_slice %arg6[%mul3A_2, %dma_wait3A_621] : memref<64x64xf32, #tpu.memory_space<hbm>> -> memref<4x64xf32, #tpu.memory_space<hbm>>
    tpu.wait_dma2 semaphore(%arg12 : memref<!tpu.dma_semaphore, #tpu.memory_space<semaphore_mem>>) src(%arg9 : memref<4x64xf32, #tpu.memory_space<vmem>>) dst(%dma_wait3A_622 : memref<4x64xf32, #tpu.memory_space<hbm>>)
    return
  }
}

</mosaic_0001>

<sc_bundles>
// kernel: kernel.3.cloned.1.call-start
scs
__scs_entry_jumppad:
0x0: {  	(pc) =	sbr.rel $0x88, $3  }
0x1: {  	(tag) =	ssettag $0x0;
	lr =	simm.s32 $0x1  }
0x2: {  	[smem:$0x3F9E] =	sst lr;
	_ =	strace $0xD0000000  }
0x3: {  	_ = 	snop  }
0x4: {  	_ = 	snop  }
0x5: {  	_ = 	snop  }
0x6: {  	_ = 	snop  }
0x7: {  	_ = 	snop  }
__scs_overlays_trampoline_lowered:
0x8: {  	[smem:$0x3FAD] =	sst s0  }
0x9: {  	[smem:$0x3FAE] =	sst s1  }
0xa: {  	[smem:$0x3FAF] =	sst s2  }
0xb: {  	[smem:$0x3FB0] =	sst s3  }
0xc: {  	[smem:$0x3FB1] =	sst s4  }
0xd: {  	[smem:$0x3FB2] =	sst s5  }
0xe: {  	[smem:$0x3FB3] =	sst s6  }
0xf: {  	[smem:$0x3FB4] =	sst s7  }
0x10: {  	[smem:$0x3FB5] =	sst s8  }
0x11: {  	[smem:$0x3FB6] =	sst s9;
	s0 =	simm.s32 @!p0 $0x0  }
0x12: {  	s1 =	sld [smem:$0x3F9C];
	s0 =	simm.s32 @p0 $0x1  }
0x13: {  	[smem:$0x3FB7] =	sst s0;
	s0 =	simm.s32 @!p1 $0x0  }
0x14: {  	s2 =	sld [smem:$0x3F9B];
	s0 =	simm.s32 @p1 $0x1  }
0x15: {  	[smem:$0x3FB8] =	sst s0;
	s0 =	simm.s32 @!p2 $0x0  }
0x16: {  	s3 =	sld [smem:$0x3FDB];
	s0 =	simm.s32 @p2 $0x1  }
0x17: {  	s4 =	simm.s32 $0x1BF5;
	[smem:$0x3FBA] =	sst s0  }
0x18: {  	s0 =	sld [smem:$0x3F9D];
	_ =	swait.ge [sflag:s4], $0x0  }
0x19: {  	s7 =	sld [smem:$0x3F9E]  }
0x1a: {  	s8 =	sadd.s32 $0xFFFFE003, lr  }
0x1b: {  	s9 =	sadd.s32 $0xFFFFFEF7, lr;
	s5 =	simm.s32 $0xFFFFFFFF;
	p2 =	slt.u32 s8, $0xFFFFF086  }
0x1c: {  	p1 =	slt.u32 s9, $0xF7A;
	s5 =	simm.s32 @!p2 $0x0  }
0x1d: {  	s5 =	simm.s32 @p1 $0x1;
	p0 =	seq.s32 s7, s2  }
0x1e: {  	s7 =	smul.u32 @!p0 $0xF7A, s2;
	p2 =	seq.s32 @!p0 s5, $0x0  }
0x1f: {  	s9 =	smul.u32 $0xF7A, s1;
	s8 =	simm.s32 @!p0 $0x1BF5;
	p2 =	por !p2, p0  }
0x20: {  	[sflag:s8] =	ssyncset.s32 @!p0 $0xFFFFF086;
	s6 =	sadd.s32 @!p0 s3, s7;
	s7 =	simm.s32 @!p0 $0x108  }
0x21: {  	s3 =	sadd.s32 s3, s9;
	s6 =	sadd.s32 @!p0 $0x88, s6;
	s7 =	simm.s32 @p2 $0x1082  }
0x22: {  	[simem:s7], [sflag:s8] =	dma.local @!p0 [hbm:s6], $0xF7A  }
0x23: {  	s9 =	sor.u32 $0xD0000000, s2;
	s6 =	simm.s32 $0x108;
	_ =	swait.ge @!p0 [sflag:s8], $0x0  }
0x24: {  	s3 =	sadd.s32 $0x88, s3;
	s6 =	simm.s32 @!p1 $0x1082;
	[sflag:s4] =	ssyncset.s32 $0xFFFFF086  }
0x25: {  	[simem:s6], [sflag:s4] =	dma.local [hbm:s3], $0xF7A  }
0x26: {  	[smem:$0x3F9E] =	sst s1;
	(tag) =	ssettag s2;
	_ =	strace s9  }
0x27: {  	s1 =	sld [smem:$0x3FAE]  }
0x28: {  	s2 =	sld [smem:$0x3FAF]  }
0x29: {  	s4 =	sld [smem:$0x3FB1]  }
0x2a: {  	p0 =	seq.s32 s5, $0x0;
	s5 =	sld [smem:$0x3FB2]  }
0x2b: {  	s6 =	sld [smem:$0x3FB3]  }
0x2c: {  	s7 =	sld [smem:$0x3FB4]  }
0x2d: {  	s3 =	simm.s32 $0x108;
	s8 =	sld [smem:$0x3FB5]  }
0x2e: {  	s3 =	simm.s32 @!p0 $0x1082;
	s9 =	sld [smem:$0x3FB6]  }
0x2f: {  	lr =	sadd.s32 s0, s3;
	s0 =	sld [smem:$0x3FAD]  }
0x30: {  	s3 =	sld [smem:$0x3FB0]  }
0x31: {  	[smem:$0x3FB9] =	sst s10  }
0x32: {  	s10 =	sld [smem:$0x3FB7];
	_ =	sdelay $0x3  }
0x33: {  	p0 =	seq.s32 s10, $0x1;
	s10 =	sld [smem:$0x3FB9];
	_ =	sdelay $0x3  }
0x34: {  	[smem:$0x3FB9] =	sst s10  }
0x35: {  	s10 =	sld [smem:$0x3FB8];
	_ =	sdelay $0x3  }
0x36: {  	p1 =	seq.s32 s10, $0x1;
	s10 =	sld [smem:$0x3FB9];
	_ =	sdelay $0x3  }
0x37: {  	[smem:$0x3FB9] =	sst s10  }
0x38: {  	s10 =	sld [smem:$0x3FBA]  }
0x39: {  	_ = 	snop;
	(pc) =	sbr.ind lr, $3  }
0x3a: {  	_ = 	snop  }
0x3b: {  	_ = 	snop  }
0x3c: {  	p2 =	seq.s32 s10, $0x1;
	s10 =	sld [smem:$0x3FB9]  }
0x3d: {  	_ =	shalt  }
0x3e: {  	_ =	shalt  }
0x3f: {  	_ =	shalt  }
0x40: {  	_ =	shalt  }
0x41: {  	_ =	shalt  }
0x42: {  	_ =	shalt  }
0x43: {  	_ =	shalt  }
0x44: {  	_ =	shalt  }
0x45: {  	_ =	shalt  }
0x46: {  	_ =	shalt  }
0x47: {  	_ =	shalt  }
0x48: {  	_ =	shalt  }
0x49: {  	_ =	shalt  }
0x4a: {  	_ =	shalt  }
0x4b: {  	_ =	shalt  }
0x4c: {  	_ =	shalt  }
0x4d: {  	_ =	shalt  }
0x4e: {  	_ =	shalt  }
0x4f: {  	_ =	shalt  }
0x50: {  	_ =	shalt  }
0x51: {  	_ =	shalt  }
0x52: {  	_ =	shalt  }
0x53: {  	_ =	shalt  }
0x54: {  	_ =	shalt  }
0x55: {  	_ =	shalt  }
0x56: {  	_ =	shalt  }
0x57: {  	_ =	shalt  }
0x58: {  	_ =	shalt  }
0x59: {  	_ =	shalt  }
0x5a: {  	_ =	shalt  }
0x5b: {  	_ =	shalt  }
0x5c: {  	_ =	shalt  }
0x5d: {  	_ =	shalt  }
0x5e: {  	_ =	shalt  }
0x5f: {  	_ =	shalt  }
0x60: {  	_ =	shalt  }
0x61: {  	_ =	shalt  }
0x62: {  	_ =	shalt  }
0x63: {  	_ =	shalt  }
0x64: {  	_ =	shalt  }
0x65: {  	_ =	shalt  }
0x66: {  	_ =	shalt  }
0x67: {  	_ =	shalt  }
0x68: {  	_ =	shalt  }
0x69: {  	_ =	shalt  }
0x6a: {  	_ =	shalt  }
0x6b: {  	_ =	shalt  }
0x6c: {  	_ =	shalt  }
0x6d: {  	_ =	shalt  }
0x6e: {  	_ =	shalt  }
0x6f: {  	_ =	shalt  }
0x70: {  	_ =	shalt  }
0x71: {  	_ =	shalt  }
0x72: {  	_ =	shalt  }
0x73: {  	_ =	shalt  }
0x74: {  	_ =	shalt  }
0x75: {  	_ =	shalt  }
0x76: {  	_ =	shalt  }
0x77: {  	_ =	shalt  }
0x78: {  	_ =	shalt  }
0x79: {  	_ =	shalt  }
0x7a: {  	_ =	shalt  }
0x7b: {  	_ =	shalt  }
0x7c: {  	_ =	shalt  }
0x7d: {  	_ =	shalt  }
0x7e: {  	_ =	shalt  }
0x7f: {  	_ =	shalt  }
0x80: {  	_ =	shalt  }
0x81: {  	_ =	shalt  }
0x82: {  	_ =	shalt  }
0x83: {  	_ =	shalt  }
0x84: {  	_ =	shalt  }
0x85: {  	_ =	shalt  }
0x86: {  	_ =	shalt  }
0x87: {  	_ =	shalt  }
.Lfunc_end0:
.L_simem_size_0:
called_computation_lowered:
.L_overlay_start_0:
0x88: {  	s0 =	sld [smem:$0x3FD9]  }
0x89: {  	s1 =	sld [smem:$0x3FFE];
	_ =	sdelay $0x3  }
0x8a: {  	s0 =	sadd.s32 s1, s0  }
0x8b: {  	[smem:$0x3FC5] =	sst s0  }
0x8c: {  	_ = 	snop  }
0x8d: {  	s0 =	sld [smem:$0x3FD0]  }
0x8e: {  	s14 =	sld [smem:$0x3FC9]  }
0x8f: {  	s2 =	sld [smem:$0x3FC8]  }
0x90: {  	s4 =	simm.s32 $0xA;
	s5 =	simm.s32 $0x10;
	s3 =	sld [smem:$0x3FC7]  }
0x91: {  	[smem:s5], [sflag:s4] =	dma.local [hbm:s0], $0x1  }
0x92: {  	_ =	swait.eq [sflag:s4], $0x1  }
0x93: {  	[sflag:s4] =	ssyncset.done $0x0  }
0x94: {  	s15 =	sld [smem:$0x10];
	[sflag:s4] =	ssyncadd.s32 $0xFFFFFFFF  }
0x95: {  	s16 =	sld [smem:$0x11];
	(tm) =	ssettm $0x1  }
0x96: {  	s17 =	sld [smem:$0x3FFB];
	_ =	sdelay $0x3  }
0x97: {  	_ =	strace s17  }
0x98: {  	s5 =	sld [smem:$0x3FFC];
	_ =	sdelay $0x3  }
0x99: {  	_ =	strace s5  }
0x9a: {  	s5 =	sld [smem:$0x3FFD];
	_ =	sdelay $0x3  }
0x9b: {  	_ =	strace s5  }
0x9c: {  	_ =	strace $0x8FFFFFFF  }
0x9d: {  	s18 =	sld [smem:$0x3FDB];
	_ =	sdelay $0x1  }
0x9e: {  	s6 =	simm.s32 $_scs_section_size  }
0x9f: {  	s7 =	simm.s32 $_size__tile_overlayer_lowered;
	s8 =	simm.s32 $_tile_overlayer_lowered  }
0xa0: {  	s21 =	simm.s32 $0x1BFF;
	s20 =	sshll.u32 s8, $0x1;
	s5 =	sadd.s32 s6, s18  }
0xa1: {  	s9 =	simm.s32 $0x0;
	s19 =	sshll.u32 s7, $0x1;
	s7 =	sadd.s32 s20, s5  }
0xa2: {  	[timem:s9], [sflag:s21] =	dma.local [hbm:s7], s19  }
0xa3: {  	_ =	swait.ge [sflag:s21], s19  }
0xa4: {  	s6 =	ssub.s32 $0x0, s19;
	[sflag:s21] =	ssyncset.done $0x0  }
0xa5: {  	[sflag:s21] =	ssyncadd.s32 s6;
	_ =	sdelay $0x1  }
0xa6: {  	s22 =	simm.s32 $0x1B8B  }
0xa7: {  	_ =	swait.ge [sflag:s22], $0x1  }
0xa8: {  	[sflag:s22] =	ssyncset.done $0x0  }
0xa9: {  	s23 =	simm.s32 $0x1B8E;
	[sflag:s22] =	ssyncadd.s32 $0xFFFFFFFF  }
0xaa: {  	s24 =	simm.s32 $execute0_lowered;
	[smem:$0x3FD2] =	sst s23  }
0xab: {  	s6 =	sshll.u32 s24, $0x1;
	_ =	strace $0x80000046;
	[dreg:$0x1] =	wrdreg $0xFFFFFFFF  }
0xac: {  	s25 =	simm.s32 $_size_execute0_lowered;
	s5 =	sadd.s32 s5, s6;
	[dreg:$0x0] =	wrdreg $0x0  }
0xad: {  	s6 =	sshll.u32 s25, $0x1;
	[dreg:$0x2] =	wrdreg s5  }
0xae: {  	[dreg:$0x3] =	wrdreg s6  }
0xaf: {  	[dreg:$0x4] =	wrdreg $0xC0  }
0xb0: {  	_ =	task [dreg:s9], $0x5FFFF  }
0xb1: {  	[dreg:$0x1] =	wrdreg $0xFFFFFFFF  }
0xb2: {  	[dreg:$0x0] =	wrdreg $0x60  }
0xb3: {  	[dreg:$0x2] =	wrdreg s14  }
0xb4: {  	[dreg:$0x3] =	wrdreg s2  }
0xb5: {  	[dreg:$0x4] =	wrdreg s3  }
0xb6: {  	[dreg:$0x5] =	wrdreg s15  }
0xb7: {  	[dreg:$0x6] =	wrdreg s16  }
0xb8: {  	[dreg:$0x7] =	wrdreg $0x9  }
0xb9: {  	_ =	task.clear_ibuf [dreg:s9], $0x8FFFF;
	_ =	strace $0x90000046  }
0xba: {  	s26 =	simm.s32 $0x9;
	_ =	strace $0x80000048  }
0xbb: {  	_ =	swait.ge [sflag:s26], $0x1  }
0xbc: {  	[sflag:s26] =	ssyncadd.s32 $0xFFFFFFFF  }
0xbd: {  	_ =	strace $0x90000048  }
0xbe: {  	_ =	sfence  }
0xbf: {  	s28 =	sld [smem:$0x0];
	_ =	sdelay $0x1  }
0xc0: {  	s29 =	srdreg.scid  }
0xc1: {  	s30 =	sshll.u32 s29, $0xD;
	s31 =	sshrl.u32 s29, $0x2  }
0xc2: {  	s1 =	sand.u32 $0x1, s29;
	s2 =	sand.u32 $0x4000, s30;
	s0 =	sadd.s32 s31, s28  }
0xc3: {  	s1 =	sor.u32 s2, s1;
	s0 =	sshll.u32 s0, $0x11  }
0xc4: {  	s0 =	sor.u32 s0, s1  }
0xc5: {  	s0 =	sadd.s32 $0x8F2B, s0  }
0xc6: {  	[sflag:s0] =	ssyncadd.remote.s32 $0x1  }
0xc7: {  	_ =	sfence.sel $0xFFFF  }
0xc8: {  	[dreg:$0x0] =	wrdreg $0xFFFFFFFF;
	(pc) =	sbr.abs _section_cstart, $3  }
0xc9: {  	[dreg:$0x1] =	wrdreg $0xFFFFFFFF  }
0xca: {  	_ =	task.clear_ibuf [dreg:s9], $0x2FFFF;
	_ =	strace $0x9FFFFFFF  }
0xcb: {  	(tm) =	ssettm $0x7FFFFFFF  }
tec
execute0_lowered:
.L_overlay_start_1:
0x0: {  	(tag) =	ssettag $0x1  }
0x1: {  	s6 =	rddreg [dreg:$0x0]  }
0x2: {  	s5 =	rddreg [dreg:$0x1]  }
0x3: {  	s4 =	rddreg [dreg:$0x2]  }
0x4: {  	s3 =	rddreg [dreg:$0x3]  }
0x5: {  	s2 =	rddreg [dreg:$0x4]  }
0x6: {  	s0 =	rddreg [dreg:$0x5];
	s7 =	simm.s32 $0x0;
	s1 =	stileid.u32  }
0x7: {  	[smem:$0x7FF] =	sst s7;
	s8 =	sshll.u32 s1, $0xA  }
0x8: {  	s28 =	simm.s32 $0x3;
	_ =	strace $0x80000047;
	s6 =	sadd.s32 s6, s8  }
0x9: {  	[tilespmem:s7], [sflag:$0x3] =	stream.linear.gather [hbm4b:s6+s7], $0x2000, $0x38;
	[tilespmem:$0xA600] =	vst v63  }
0xa: {  	_ =	swait.ge [sflag:s28], $0x2000  }
0xb: {  	[sflag:s28] =	ssyncset.done $0x0  }
0xc: {  	s29 =	simm.s32 $0x800;
	[sflag:s28] =	ssyncadd.s32 $0xFFFFE000  }
0xd: {  	v3 =	vld [tilespmem:s29+$0xFFFFF800]  }
0xe: {  	v4 =	vld [tilespmem:s29+$0x0]  }
0xf: {  	v5 =	vld [tilespmem:s29+$0xFFFFF810]  }
0x10: {  	v8 =	vld [tilespmem:s29+$0x10]  }
0x11: {  	v1 =	vlaneseq.u32;
	v6 =	vimm.f32 $-Inf;
	s30 =	simm.s32 $0x40;
	s11 =	simm.s32 $0x10;
	v9 =	vld [tilespmem:s29+$0xFFFFF820]  }
0x12: {  	v7 =	vimm.s32 $0x0;
	s31 =	simm.s32 $0x0;
	v10 =	vor.u32 s30, v1;
	v12 =	vor.u32 s11, v1;
	v14 =	vld [tilespmem:s29+$0x20]  }
0x13: {  	v16 =	vor.u32 s31, v1;
	vm0 =	vgt.f32 v3, v6;
	vm1 =	vgt.f32 v4, v6  }
0x14: {  	v18 =	vld [tilespmem:s29+$0x30];
	v3 =	vsel vm0, v3, v6;
	v4 =	vsel vm1, v4, v6;
	v6 =	vsel vm1, v16, v7  }
0x15: {  	v17 =	vld [tilespmem:s29+$0xFFFFF830];
	v7 =	vsel vm0, v16, v7;
	vm0 =	vgt.f32 v5, v3;
	vm1 =	vgt.f32 v8, v4  }
0x16: {  	v3 =	vsel vm0, v5, v3;
	v4 =	vsel vm1, v8, v4;
	v5 =	vsel vm1, v12, v6;
	v6 =	vld [tilespmem:s29+$0x40]  }
0x17: {  	s12 =	simm.s32 $0x20;
	v60 =	vld [tilespmem:s29+$0xFFFFF840];
	v7 =	vsel vm0, v12, v7;
	vm0 =	vgt.f32 v9, v3;
	vm1 =	vgt.f32 v14, v4  }
0x18: {  	s9 =	simm.s32 $0x50;
	v13 =	vor.u32 s12, v1;
	v61 =	vld [tilespmem:s29+$0x50];
	v3 =	vsel vm0, v9, v3;
	v9 =	vsel vm1, v14, v4  }
0x19: {  	s13 =	simm.s32 $0x30;
	v11 =	vor.u32 s9, v1;
	v5 =	vsel vm1, v13, v5;
	vm1 =	vgt.f32 v18, v9  }
0x1a: {  	v15 =	vor.u32 s13, v1;
	v8 =	vld [tilespmem:s29+$0xFFFFF850];
	v7 =	vsel vm0, v13, v7;
	v9 =	vsel vm1, v18, v9  }
0x1b: {  	v4 =	vld [tilespmem:s29+$0xFFFFF860];
	vm0 =	vgt.f32 v17, v3;
	v5 =	vsel vm1, v15, v5;
	vm1 =	vgt.f32 v6, v9  }
0x1c: {  	v62 =	vsel vm0, v17, v3;
	v3 =	vld [tilespmem:s29+$0x60];
	v7 =	vsel vm0, v15, v7;
	v63 =	vsel vm1, v6, v9  }
0x1d: {  	vm0 =	vgt.f32 v60, v62;
	v5 =	vsel vm1, v10, v5;
	v6 =	vld [tilespmem:s29+$0xFFFFF870];
	vm1 =	vgt.f32 v61, v63  }
0x1e: {  	s10 =	simm.s32 $0x60;
	v13 =	vsel vm0, v60, v62;
	v10 =	vsel vm0, v10, v7;
	v7 =	vsel vm1, v11, v5;
	v5 =	vld [tilespmem:s29+$0x70]  }
0x1f: {  	v2 =	vor.u32 s10, v1;
	s6 =	simm.s32 $0x70;
	vm0 =	vgt.f32 v8, v13  }
0x20: {  	v0 =	vor.u32 s6, v1;
	v9 =	vsel vm0, v8, v13;
	v8 =	vsel vm1, v61, v63  }
0x21: {  	s8 =	simm.s32 $0x880;
	s7 =	simm.s32 $0x0;
	v10 =	vsel vm0, v11, v10;
	vm1 =	vgt.f32 v4, v9;
	vm0 =	vgt.f32 v3, v8  }
.LBB2_1:
0x22: {  	v11 =	vld [tilespmem:s8+$0xFFFFF800];
	v4 =	vsel vm1, v4, v9;
	v3 =	vsel vm0, v3, v8;
	v7 =	vsel vm0, v2, v7  }
0x23: {  	s7 =	sadd.s32 $0x8, s7;
	v2 =	vsel vm1, v2, v10;
	v8 =	vld [tilespmem:s8+$0x0];
	vm0 =	vgt.f32 v6, v4;
	vm1 =	vgt.f32 v5, v3  }
0x24: {  	s6 =	sadd.s32 $0x80, s6;
	p0 =	slt.u32 s7, $0x78;
	v9 =	vld [tilespmem:s8+$0xFFFFF810];
	v4 =	vsel vm0, v6, v4;
	v3 =	vsel vm1, v5, v3;
	v5 =	vsel vm1, v0, v7  }
0x25: {  	s9 =	sadd.s32 $0xFFFFFFD0, s6;
	s10 =	sadd.s32 $0xFFFFFFE0, s6;
	s11 =	sadd.s32 $0xFFFFFFF0, s6;
	v7 =	vsel vm0, v0, v2;
	v0 =	vor.u32 s6, v1;
	v6 =	vld [tilespmem:s8+$0x10]  }
0x26: {  	s12 =	sadd.s32 $0xFFFFFFA0, s6;
	s13 =	sadd.s32 $0xFFFFFFB0, s6;
	s14 =	sadd.s32 $0xFFFFFFC0, s6;
	v12 =	vor.u32 s9, v1;
	v13 =	vor.u32 s10, v1;
	v2 =	vor.u32 s11, v1;
	v10 =	vld [tilespmem:s8+$0xFFFFF820]  }
0x27: {  	s9 =	sadd.s32 $0xFFFFFF90, s6;
	v14 =	vor.u32 s12, v1;
	v15 =	vor.u32 s13, v1;
	v17 =	vor.u32 s14, v1;
	v16 =	vld [tilespmem:s8+$0x20]  }
0x28: {  	v18 =	vor.u32 s9, v1;
	vm0 =	vgt.f32 v11, v4;
	vm1 =	vgt.f32 v8, v3;
	v19 =	vld [tilespmem:s8+$0xFFFFF830]  }
0x29: {  	v4 =	vsel vm0, v11, v4;
	v3 =	vsel vm1, v8, v3;
	v5 =	vsel vm1, v18, v5;
	v8 =	vld [tilespmem:s8+$0x30]  }
0x2a: {  	v7 =	vsel vm0, v18, v7;
	vm0 =	vgt.f32 v9, v4;
	vm1 =	vgt.f32 v6, v3;
	v11 =	vld [tilespmem:s8+$0xFFFFF840]  }
0x2b: {  	v4 =	vsel vm0, v9, v4;
	v3 =	vsel vm1, v6, v3;
	v5 =	vsel vm1, v14, v5;
	v9 =	vld [tilespmem:s8+$0x40]  }
0x2c: {  	v6 =	vsel vm0, v14, v7;
	vm0 =	vgt.f32 v10, v4;
	vm1 =	vgt.f32 v16, v3;
	v7 =	vld [tilespmem:s8+$0xFFFFF850]  }
0x2d: {  	v10 =	vsel vm0, v10, v4;
	v3 =	vsel vm1, v16, v3;
	v5 =	vsel vm1, v15, v5;
	v14 =	vld [tilespmem:s8+$0x50]  }
0x2e: {  	v6 =	vsel vm0, v15, v6;
	vm0 =	vgt.f32 v19, v10;
	vm1 =	vgt.f32 v8, v3;
	v4 =	vld [tilespmem:s8+$0xFFFFF860]  }
0x2f: {  	v10 =	vsel vm0, v19, v10;
	v8 =	vsel vm1, v8, v3;
	v5 =	vsel vm1, v17, v5;
	v3 =	vld [tilespmem:s8+$0x60]  }
.Ltmp0:
0x30: {  	v15 =	vsel vm0, v17, v6;
	vm0 =	vgt.f32 v11, v10;
	vm1 =	vgt.f32 v9, v8;
	v6 =	vld [tilespmem:s8+$0xFFFFF870];
	(pc) =	sbr.rel @p0 .LBB2_1-.Ltmp0, $4  }
0x31: {  	v10 =	vsel vm0, v11, v10;
	v8 =	vsel vm1, v9, v8;
	v11 =	vsel vm1, v12, v5;
	v5 =	vld [tilespmem:s8+$0x70]  }
0x32: {  	v12 =	vsel vm0, v12, v15;
	vm0 =	vgt.f32 v7, v10;
	vm1 =	vgt.f32 v14, v8  }
0x33: {  	v9 =	vsel vm0, v7, v10;
	v8 =	vsel vm1, v14, v8;
	v7 =	vsel vm1, v13, v11  }
0x34: {  	s8 =	sadd.s32 $0x80, s8;
	v10 =	vsel vm0, v13, v12;
	vm1 =	vgt.f32 v4, v9;
	vm0 =	vgt.f32 v3, v8  }
0x35: {  	v1 =	vsel vm1, v4, v9  }
0x36: {  	v4 =	vsel vm1, v2, v10;
	vm1 =	vgt.f32 v6, v1  }
0x37: {  	v1 =	vsel vm1, v6, v1;
	v4 =	vsel vm1, v0, v4  }
0x38: {  	(xrf1) =	vsort.dscd.msk.f32 $0xffff, v1, v4;
	_ =	sdelay $0xd  }
0x39: {  	v6, _, _ =	vpop (xrf1)  }
0x3a: {  	v6 =	vbroadcast v6, $0x0;
	_ =	sdelay $0x1  }
0x3b: {  	vm1 =	veq.f32 v1, v6  }
0x3c: {  	v1 =	vnsel vm1, $0x800, v4  }
0x3d: {  	v3 =	vsel vm0, v3, v8;
	v4 =	vxor.u32 $0x80000000, v1  }
0x3e: {  	(xrf1) =	vsort.ascd.msk.u32 $0xffff, v4, v1;
	v1 =	vsel vm0, v2, v7;
	vm0 =	vgt.f32 v5, v3  }
0x3f: {  	v2 =	vsel vm0, v5, v3;
	v0 =	vsel vm0, v0, v1  }
0x40: {  	(xrf1) =	vsort.dscd.msk.f32 $0xffff, v2, v0;
	_ =	sdelay $0xb  }
0x41: {  	v1, _, _ =	vpop (xrf1)  }
0x42: {  	(v2sf) =	vpush v1, $0x0  }
0x43: {  	v1, _, _ =	vpop (xrf1)  }
0x44: {  	v1 =	vbroadcast v1, $0x0;
	_ =	sdelay $0x1  }
0x45: {  	vm0 =	veq.f32 v2, v1  }
0x46: {  	v0 =	vnsel vm0, $0x800, v0  }
0x47: {  	v1 =	vxor.u32 $0x80000000, v0  }
0x48: {  	(xrf1) =	vsort.ascd.msk.u32 $0xffff, v1, v0;
	_ =	sdelay $0x7  }
0x49: {  	s7 =	spop (v2sf)  }
0x4a: {  	s6 =	sshll.u32 s1, $0x15;
	s8 =	sshll.u32 s7, $0x8  }
0x4b: {  	s30 =	sshll.u32 s7, $0x7;
	s6 =	sadd.s32 s6, s8  }
0x4c: {  	s8 =	sand.u32 $0x380, s30;
	s6 =	sand.u32 $0xFFFFF800, s6  }
0x4d: {  	s6 =	sor.u32 s8, s6  }
0x4e: {  	s6 =	sshrl.u32 s6, $0x3  }
0x4f: {  	s31 =	simm.s32 $0x0;
	s9 =	simm.s32 $0x2000;
	s6 =	sadd.s32 s5, s6;
	v0, _, _ =	vpop (xrf1)  }
0x50: {  	[tilespmem:s9], [sflag:$0x1] =	stream.linear.gather [hbm4b:s6+s31], $0x80, $0x38;
	(v2sf) =	vpush v0, $0x0;
	[tilespmem:$0xA600] =	vst v63  }
0x51: {  	s14 =	simm.s32 $0x2200;
	s6 =	sadd.s32 $0x80, s6  }
0x52: {  	[tilespmem:s14], [sflag:$0x1] =	stream.linear.gather [hbm4b:s6+s31], $0x80, $0x38;
	[tilespmem:$0xA600] =	vst v63  }
0x53: {  	s6 =	sxor.u32 $0x80000000, s7  }
0x54: {  	p1 =	sgt.s32 s7, $0xFFFFFFFF;
	s7 =	sand.u32 $0x7F, s7;
	p0 =	slt.s32 s6, $0x1  }
0x55: {  	s15 =	sshra.s32 s6, $0x1F;
	p3 =	sne.s32 s7, $0x0;
	p0 =	por p1, p0  }
0x56: {  	s16 =	sshrl.u32 s15, $0x19;
	p0 =	por !p3, !p0  }
0x57: {  	s9 =	simm.s32 $0x1;
	s7 =	sadd.s32 s16, s6;
	p0 =	por !p0, !p0  }
0x58: {  	s7 =	sshra.s32 s7, $0x7;
	s9 =	simm.s32 @!p0 $0x0  }
0x59: {  	s7 =	ssub.s32 s7, s9  }
0x5a: {  	s17 =	sshll.u32 s1, $0x13;
	s10 =	sshll.u32 s7, $0xA  }
0x5b: {  	s9 =	sadd.s32 s17, s10  }
0x5c: {  	s11 =	simm.s32 $0x400;
	s12 =	simm.s32 $0x4000;
	s9 =	sshrl.u32 s9, $0x3  }
0x5d: {  	s13 =	simm.s32 $0x2600;
	s10 =	sshll.u32 s1, $0x2;
	s9 =	sadd.s32 s4, s9  }
0x5e: {  	[tilespmem:s13], [sflag:$0x2] =	stream.strided.gather [hbm4b:s9+s11], $0x2000, s12, s11, $0x38;
	[tilespmem:$0xA600] =	vst v63  }
0x5f: {  	s18 =	sor.u32 $0x1, s10;
	s19 =	spop (v2sf)  }
0x60: {  	s21 =	simm.s32 $0x2080;
	s14 =	sshll.u32 s18, $0x13;
	s15 =	sshll.u32 s19, $0x8  }
0x61: {  	s22 =	simm.s32 $0x2280;
	s20 =	sshll.u32 s19, $0x7;
	s14 =	sadd.s32 s14, s15  }
0x62: {  	s8 =	sxor.u32 $0x80000000, s19;
	s15 =	sand.u32 $0x380, s20;
	s14 =	sand.u32 $0xFFFFF800, s14  }
0x63: {  	p5 =	sgt.s32 s19, $0xFFFFFFFF;
	s9 =	sand.u32 $0x7F, s19;
	s14 =	sor.u32 s15, s14  }
0x64: {  	p4 =	slt.s32 s8, $0x1;
	s23 =	sshra.s32 s8, $0x1F;
	s14 =	sshrl.u32 s14, $0x3  }
0x65: {  	p6 =	sne.s32 s9, $0x0;
	p0 =	por p5, p4;
	s14 =	sadd.s32 s5, s14  }
0x66: {  	[tilespmem:s21], [sflag:$0x1] =	stream.linear.gather [hbm4b:s14+s31], $0x80, $0x38;
	[tilespmem:$0xA600] =	vst v63  }
0x67: {  	s24 =	sshrl.u32 s23, $0x19;
	p0 =	por !p6, !p0;
	s14 =	sadd.s32 $0x80, s14  }
0x68: {  	[tilespmem:s22], [sflag:$0x1] =	stream.linear.gather [hbm4b:s14+s31], $0x80, $0x38;
	[tilespmem:$0xA600] =	vst v63  }
0x69: {  	s9 =	sadd.s32 s24, s8;
	p0 =	por !p0, !p0;
	s14 =	simm.s32 $0x1  }
0x6a: {  	s9 =	sshra.s32 s9, $0x7;
	s14 =	simm.s32 @!p0 $0x0  }
0x6b: {  	s9 =	ssub.s32 s9, s14  }
0x6c: {  	s13 =	sshll.u32 s18, $0x11;
	s14 =	sshll.u32 s9, $0xA  }
0x6d: {  	s13 =	sadd.s32 s13, s14  }
0x6e: {  	s13 =	sshrl.u32 s13, $0x3  }
0x6f: {  	s25 =	simm.s32 $0x4600;
	s26 =	simm.s32 $0x1870;
	s13 =	sadd.s32 s4, s13  }
0x70: {  	[tilespmem:s25], [sflag:$0x2] =	stream.strided.gather [hbm4b:s13+s11], $0x2000, s12, s11, $0x38;
	[tilespmem:$0xA600] =	vst v63  }
0x71: {  	v3 =	vld [tilespmem:s26+$0xFFFFF790]  }
0x72: {  	v4 =	vld [tilespmem:s26+$0xFFFFFF90]  }
0x73: {  	v5 =	vld [tilespmem:s26+$0xFFFFF7A0]  }
0x74: {  	v8 =	vld [tilespmem:s26+$0xFFFFFFA0]  }
0x75: {  	s28 =	simm.s32 $0x40;
	v6 =	vimm.f32 $-Inf;
	v1 =	vlaneseq.u32;
	s16 =	simm.s32 $0x10;
	v9 =	vld [tilespmem:s26+$0xFFFFF7B0]  }
0x76: {  	v7 =	vimm.s32 $0x0;
	v10 =	vor.u32 s28, v1;
	v12 =	vor.u32 s16, v1;
	s31 =	simm.s32 $0x0;
	v14 =	vld [tilespmem:s26+$0xFFFFFFB0]  }
0x77: {  	v16 =	vor.u32 s31, v1;
	vm0 =	vgt.f32 v3, v6;
	vm1 =	vgt.f32 v4, v6  }
0x78: {  	v18 =	vld [tilespmem:s26+$0xFFFFFFC0];
	v3 =	vsel vm0, v3, v6;
	v4 =	vsel vm1, v4, v6;
	v6 =	vsel vm1, v16, v7  }
0x79: {  	v17 =	vld [tilespmem:s26+$0xFFFFF7C0];
	v7 =	vsel vm0, v16, v7;
	vm0 =	vgt.f32 v5, v3;
	vm1 =	vgt.f32 v8, v4  }
0x7a: {  	v3 =	vsel vm0, v5, v3;
	v4 =	vsel vm1, v8, v4;
	v5 =	vsel vm1, v12, v6;
	v6 =	vld [tilespmem:s26+$0xFFFFFFD0]  }
0x7b: {  	s17 =	simm.s32 $0x20;
	v60 =	vld [tilespmem:s26+$0xFFFFF7D0];
	v7 =	vsel vm0, v12, v7;
	vm0 =	vgt.f32 v9, v3;
	vm1 =	vgt.f32 v14, v4  }
0x7c: {  	s29 =	simm.s32 $0x50;
	v13 =	vor.u32 s17, v1;
	v61 =	vld [tilespmem:s26+$0xFFFFFFE0];
	v3 =	vsel vm0, v9, v3;
	v9 =	vsel vm1, v14, v4  }
0x7d: {  	v11 =	vor.u32 s29, v1;
	s18 =	simm.s32 $0x30;
	v5 =	vsel vm1, v13, v5;
	vm1 =	vgt.f32 v18, v9  }
0x7e: {  	v15 =	vor.u32 s18, v1;
	v8 =	vld [tilespmem:s26+$0xFFFFF7E0];
	v7 =	vsel vm0, v13, v7;
	v9 =	vsel vm1, v18, v9  }
0x7f: {  	v4 =	vld [tilespmem:s26+$0xFFFFF7F0];
	vm0 =	vgt.f32 v17, v3;
	v5 =	vsel vm1, v15, v5;
	vm1 =	vgt.f32 v6, v9  }
0x80: {  	v62 =	vsel vm0, v17, v3;
	v3 =	vld [tilespmem:s26+$0xFFFFFFF0];
	v7 =	vsel vm0, v15, v7;
	v63 =	vsel vm1, v6, v9  }
0x81: {  	vm0 =	vgt.f32 v60, v62;
	v5 =	vsel vm1, v10, v5;
	v6 =	vld [tilespmem:s26+$0xFFFFF800];
	vm1 =	vgt.f32 v61, v63  }
0x82: {  	s30 =	simm.s32 $0x60;
	v13 =	vsel vm0, v60, v62;
	v10 =	vsel vm0, v10, v7;
	v7 =	vsel vm1, v11, v5;
	v5 =	vld [tilespmem:s26+$0x0]  }
0x83: {  	v2 =	vor.u32 s30, v1;
	s11 =	simm.s32 $0x70;
	vm0 =	vgt.f32 v8, v13  }
0x84: {  	v0 =	vor.u32 s11, v1;
	v9 =	vsel vm0, v8, v13;
	v8 =	vsel vm1, v61, v63  }
0x85: {  	s12 =	simm.s32 $0x0;
	s13 =	simm.s32 $0x18F0;
	v10 =	vsel vm0, v11, v10;
	vm1 =	vgt.f32 v4, v9;
	vm0 =	vgt.f32 v3, v8  }
.LBB2_3:
0x86: {  	v11 =	vld [tilespmem:s13+$0xFFFFF790];
	v4 =	vsel vm1, v4, v9;
	v3 =	vsel vm0, v3, v8;
	v7 =	vsel vm0, v2, v7  }
0x87: {  	s12 =	sadd.s32 $0x8, s12;
	v2 =	vsel vm1, v2, v10;
	v8 =	vld [tilespmem:s13+$0xFFFFFF90];
	vm0 =	vgt.f32 v6, v4;
	vm1 =	vgt.f32 v5, v3  }
0x88: {  	s11 =	sadd.s32 $0x80, s11;
	p0 =	slt.u32 s12, $0x78;
	v9 =	vld [tilespmem:s13+$0xFFFFF7A0];
	v4 =	vsel vm0, v6, v4;
	v3 =	vsel vm1, v5, v3;
	v5 =	vsel vm1, v0, v7  }
0x89: {  	s14 =	sadd.s32 $0xFFFFFFD0, s11;
	s15 =	sadd.s32 $0xFFFFFFE0, s11;
	s16 =	sadd.s32 $0xFFFFFFF0, s11;
	v7 =	vsel vm0, v0, v2;
	v0 =	vor.u32 s11, v1;
	v6 =	vld [tilespmem:s13+$0xFFFFFFA0]  }
0x8a: {  	s17 =	sadd.s32 $0xFFFFFFA0, s11;
	s18 =	sadd.s32 $0xFFFFFFB0, s11;
	s19 =	sadd.s32 $0xFFFFFFC0, s11;
	v12 =	vor.u32 s14, v1;
	v13 =	vor.u32 s15, v1;
	v2 =	vor.u32 s16, v1;
	v10 =	vld [tilespmem:s13+$0xFFFFF7B0]  }
0x8b: {  	s14 =	sadd.s32 $0xFFFFFF90, s11;
	v14 =	vor.u32 s17, v1;
	v15 =	vor.u32 s18, v1;
	v17 =	vor.u32 s19, v1;
	v16 =	vld [tilespmem:s13+$0xFFFFFFB0]  }
0x8c: {  	v18 =	vor.u32 s14, v1;
	vm0 =	vgt.f32 v11, v4;
	vm1 =	vgt.f32 v8, v3;
	v19 =	vld [tilespmem:s13+$0xFFFFF7C0]  }
0x8d: {  	v4 =	vsel vm0, v11, v4;
	v3 =	vsel vm1, v8, v3;
	v5 =	vsel vm1, v18, v5;
	v8 =	vld [tilespmem:s13+$0xFFFFFFC0]  }
0x8e: {  	v7 =	vsel vm0, v18, v7;
	vm0 =	vgt.f32 v9, v4;
	vm1 =	vgt.f32 v6, v3;
	v11 =	vld [tilespmem:s13+$0xFFFFF7D0]  }
0x8f: {  	v4 =	vsel vm0, v9, v4;
	v3 =	vsel vm1, v6, v3;
	v5 =	vsel vm1, v14, v5;
	v9 =	vld [tilespmem:s13+$0xFFFFFFD0]  }
0x90: {  	v6 =	vsel vm0, v14, v7;
	vm0 =	vgt.f32 v10, v4;
	vm1 =	vgt.f32 v16, v3;
	v7 =	vld [tilespmem:s13+$0xFFFFF7E0]  }
0x91: {  	v10 =	vsel vm0, v10, v4;
	v3 =	vsel vm1, v16, v3;
	v5 =	vsel vm1, v15, v5;
	v14 =	vld [tilespmem:s13+$0xFFFFFFE0]  }
0x92: {  	v6 =	vsel vm0, v15, v6;
	vm0 =	vgt.f32 v19, v10;
	vm1 =	vgt.f32 v8, v3;
	v4 =	vld [tilespmem:s13+$0xFFFFF7F0]  }
0x93: {  	v10 =	vsel vm0, v19, v10;
	v8 =	vsel vm1, v8, v3;
	v5 =	vsel vm1, v17, v5;
	v3 =	vld [tilespmem:s13+$0xFFFFFFF0]  }
.Ltmp1:
0x94: {  	v15 =	vsel vm0, v17, v6;
	vm0 =	vgt.f32 v11, v10;
	vm1 =	vgt.f32 v9, v8;
	v6 =	vld [tilespmem:s13+$0xFFFFF800];
	(pc) =	sbr.rel @p0 .LBB2_3-.Ltmp1, $4  }
0x95: {  	v10 =	vsel vm0, v11, v10;
	v8 =	vsel vm1, v9, v8;
	v11 =	vsel vm1, v12, v5;
	v5 =	vld [tilespmem:s13+$0x0]  }
0x96: {  	v12 =	vsel vm0, v12, v15;
	vm0 =	vgt.f32 v7, v10;
	vm1 =	vgt.f32 v14, v8  }
0x97: {  	v9 =	vsel vm0, v7, v10;
	v8 =	vsel vm1, v14, v8;
	v7 =	vsel vm1, v13, v11  }
0x98: {  	s13 =	sadd.s32 $0x80, s13;
	v10 =	vsel vm0, v13, v12;
	vm1 =	vgt.f32 v4, v9;
	vm0 =	vgt.f32 v3, v8  }
0x99: {  	v1 =	vsel vm1, v4, v9  }
0x9a: {  	v40 =	vsel vm1, v2, v10;
	vm12 =	vgt.f32 v6, v1  }
0x9b: {  	v1 =	vsel vm12, v6, v1;
	v4 =	vsel vm12, v0, v40  }
0x9c: {  	(xrf1) =	vsort.dscd.msk.f32 $0xffff, v1, v4;
	_ =	sdelay $0xd  }
0x9d: {  	v41, _, _ =	vpop (xrf1)  }
0x9e: {  	v6 =	vbroadcast v41, $0x0;
	_ =	sdelay $0x1  }
0x9f: {  	vm13 =	veq.f32 v1, v6  }
0xa0: {  	v1 =	vnsel vm13, $0x800, v4  }
0xa1: {  	v3 =	vsel vm0, v3, v8;
	v4 =	vxor.u32 $0x80000000, v1  }
0xa2: {  	v42 =	vsel vm0, v2, v7;
	vm14 =	vgt.f32 v5, v3;
	(xrf1) =	vsort.ascd.msk.u32 $0xffff, v4, v1  }
0xa3: {  	v43 =	vsel vm14, v5, v3;
	v44 =	vsel vm14, v0, v42  }
0xa4: {  	(xrf1) =	vsort.dscd.msk.f32 $0xffff, v43, v44;
	_ =	sdelay $0xb  }
0xa5: {  	v45, _, _ =	vpop (xrf1)  }
0xa6: {  	(v2sf) =	vpush v45, $0x0  }
0xa7: {  	v46, _, _ =	vpop (xrf1)  }
0xa8: {  	v1 =	vbroadcast v46, $0x0;
	_ =	sdelay $0x1  }
0xa9: {  	vm15 =	veq.f32 v43, v1  }
0xaa: {  	v0 =	vnsel vm15, $0x800, v44  }
0xab: {  	v47 =	vxor.u32 $0x80000000, v0  }
0xac: {  	(xrf1) =	vsort.ascd.msk.u32 $0xffff, v47, v0;
	_ =	sdelay $0x7  }
0xad: {  	s12 =	sor.u32 $0x2, s10;
	s14 =	spop (v2sf)  }
0xae: {  	s11 =	sshll.u32 s12, $0x13;
	s13 =	sshll.u32 s14, $0x8  }
0xaf: {  	s29 =	sshll.u32 s14, $0x7;
	s11 =	sadd.s32 s11, s13  }
0xb0: {  	s13 =	sand.u32 $0x380, s29;
	s11 =	sand.u32 $0xFFFFF800, s11  }
0xb1: {  	s11 =	sor.u32 s13, s11  }
0xb2: {  	s11 =	sshrl.u32 s11, $0x3  }
0xb3: {  	s15 =	simm.s32 $0x2100;
	v0, _, _ =	vpop (xrf1);
	s30 =	sadd.s32 s5, s11;
	s11 =	simm.s32 $0x0  }
0xb4: {  	(v2sf) =	vpush v0, $0x0;
	[tilespmem:s15], [sflag:$0x1] =	stream.linear.gather [hbm4b:s30+s11], $0x80, $0x38;
	[tilespmem:$0xA600] =	vst v63  }
0xb5: {  	s31 =	simm.s32 $0x2300;
	s13 =	sadd.s32 $0x80, s30  }
0xb6: {  	[tilespmem:s31], [sflag:$0x1] =	stream.linear.gather [hbm4b:s13+s11], $0x80, $0x38;
	[tilespmem:$0xA600] =	vst v63  }
0xb7: {  	s13 =	sxor.u32 $0x80000000, s14  }
0xb8: {  	p1 =	sgt.s32 s14, $0xFFFFFFFF;
	s14 =	sand.u32 $0x7F, s14;
	p0 =	slt.s32 s13, $0x1  }
0xb9: {  	s16 =	sshra.s32 s13, $0x1F;
	p3 =	sne.s32 s14, $0x0;
	p0 =	por p1, p0  }
0xba: {  	s17 =	sshrl.u32 s16, $0x19;
	p0 =	por !p3, !p0  }
0xbb: {  	s15 =	simm.s32 $0x1;
	s14 =	sadd.s32 s17, s13;
	p0 =	por !p0, !p0  }
0xbc: {  	s14 =	sshra.s32 s14, $0x7;
	s15 =	simm.s32 @!p0 $0x0  }
0xbd: {  	s14 =	ssub.s32 s14, s15  }
0xbe: {  	s12 =	sshll.u32 s12, $0x11;
	s15 =	sshll.u32 s14, $0xA  }
0xbf: {  	s12 =	sadd.s32 s12, s15  }
0xc0: {  	s16 =	simm.s32 $0x4000;
	s12 =	sshrl.u32 s12, $0x3  }
0xc1: {  	s17 =	simm.s32 $0x6600;
	s18 =	sadd.s32 s4, s12;
	s12 =	simm.s32 $0x400  }
0xc2: {  	[tilespmem:s17], [sflag:$0x2] =	stream.strided.gather [hbm4b:s18+s12], $0x2000, s16, s12, $0x38;
	[tilespmem:$0xA600] =	vst v63  }
0xc3: {  	s19 =	sor.u32 $0x3, s10;
	s20 =	spop (v2sf)  }
0xc4: {  	s23 =	simm.s32 $0x2180;
	s10 =	sshll.u32 s19, $0x13;
	s18 =	sshll.u32 s20, $0x8  }
0xc5: {  	s24 =	simm.s32 $0x2380;
	s21 =	sshll.u32 s20, $0x7;
	s10 =	sadd.s32 s10, s18  }
0xc6: {  	s25 =	sxor.u32 $0x80000000, s20;
	s18 =	sand.u32 $0x380, s21;
	s10 =	sand.u32 $0xFFFFF800, s10  }
0xc7: {  	p5 =	sgt.s32 s20, $0xFFFFFFFF;
	s26 =	sand.u32 $0x7F, s20;
	s10 =	sor.u32 s18, s10  }
0xc8: {  	p4 =	slt.s32 s25, $0x1;
	s28 =	sshra.s32 s25, $0x1F;
	s10 =	sshrl.u32 s10, $0x3  }
0xc9: {  	p6 =	sne.s32 s26, $0x0;
	p0 =	por p5, p4;
	s22 =	sadd.s32 s5, s10  }
0xca: {  	[tilespmem:s23], [sflag:$0x1] =	stream.linear.gather [hbm4b:s22+s11], $0x80, $0x38;
	[tilespmem:$0xA600] =	vst v63  }
0xcb: {  	s29 =	sshrl.u32 s28, $0x19;
	p0 =	por !p6, !p0;
	s5 =	sadd.s32 $0x80, s22  }
0xcc: {  	[tilespmem:s24], [sflag:$0x1] =	stream.linear.gather [hbm4b:s5+s11], $0x80, $0x38;
	[tilespmem:$0xA600] =	vst v63  }
0xcd: {  	s15 =	simm.s32 $0x1;
	p0 =	por !p0, !p0;
	s5 =	sadd.s32 s29, s25  }
0xce: {  	s15 =	simm.s32 @!p0 $0x0;
	s5 =	sshra.s32 s5, $0x7  }
0xcf: {  	s15 =	ssub.s32 s5, s15  }
0xd0: {  	s30 =	sshll.u32 s19, $0x11;
	s31 =	sshll.u32 s15, $0xA  }
0xd1: {  	s5 =	sadd.s32 s30, s31  }
0xd2: {  	s17 =	sshrl.u32 s5, $0x3  }
0xd3: {  	s18 =	simm.s32 $0x8600;
	s5 =	simm.s32 $0x1;
	s17 =	sadd.s32 s4, s17  }
0xd4: {  	[tilespmem:s18], [sflag:$0x2] =	stream.strided.gather [hbm4b:s17+s12], $0x2000, s16, s12, $0x38;
	[tilespmem:$0xA600] =	vst v63  }
0xd5: {  	_ =	swait.ge [sflag:s5], $0x100  }
0xd6: {  	[sflag:s5] =	ssyncset.done $0x0  }
0xd7: {  	s19 =	simm.s32 $0x2;
	[sflag:s5] =	ssyncadd.s32 $0xFFFFFF00  }
0xd8: {  	_ =	swait.ge [sflag:s19], $0x2000  }
0xd9: {  	[sflag:s19] =	ssyncset.done $0x0  }
0xda: {  	[sflag:s19] =	ssyncadd.s32 $0xFFFFE000  }
0xdb: {  	_ =	swait.ge [sflag:s5], $0x100  }
0xdc: {  	[sflag:s5] =	ssyncset.done $0x0  }
0xdd: {  	[sflag:s5] =	ssyncadd.s32 $0xFFFFFF00  }
0xde: {  	_ =	swait.ge [sflag:s19], $0x2000  }
0xdf: {  	[sflag:s19] =	ssyncset.done $0x0  }
0xe0: {  	[sflag:s19] =	ssyncadd.s32 $0xFFFFE000  }
0xe1: {  	_ =	swait.ge [sflag:s5], $0x100  }
0xe2: {  	[sflag:s5] =	ssyncset.done $0x0  }
0xe3: {  	[sflag:s5] =	ssyncadd.s32 $0xFFFFFF00  }
0xe4: {  	_ =	swait.ge [sflag:s19], $0x2000  }
0xe5: {  	v48 =	vlaneseq.u32;
	[sflag:s19] =	ssyncset.done $0x0  }
0xe6: {  	s7 =	sshll.u32 s7, $0x7;
	v0 =	vmul.u32 $0x80, v48;
	[sflag:s19] =	ssyncadd.s32 $0xFFFFE000  }
0xe7: {  	s7 =	ssub.s32 s6, s7;
	_ =	swait.ge [sflag:s5], $0x100  }
0xe8: {  	v49 =	vadd.s32 s7, v0;
	[sflag:s5] =	ssyncset.done $0x0  }
0xe9: {  	[sflag:s5] =	ssyncadd.s32 $0xFFFFFF00  }
0xea: {  	_ =	swait.ge [sflag:s19], $0x2000  }
0xeb: {  	[sflag:s19] =	ssyncset.done $0x0  }
0xec: {  	s20 =	simm.s32 $0x2600;
	[sflag:s19] =	ssyncadd.s32 $0xFFFFE000  }
0xed: {  	v50 =	vor.u32 $0x800, v0;
	v1 =	vld.idx.msk [tilespmem:v49+s20+$0x0], $0xffff  }
0xee: {  	v2 =	vadd.s32 s7, v50;
	_ =	sdelay $0x3  }
0xef: {  	[tilespmem:$0x2400] =	vst v1  }
0xf0: {  	v51 =	vor.u32 $0x1000, v0;
	v1 =	vld.idx.msk [tilespmem:v2+s20+$0x0], $0xffff  }
0xf1: {  	v2 =	vadd.s32 s7, v51;
	_ =	sdelay $0x3  }
0xf2: {  	[tilespmem:$0x2410] =	vst v1  }
0xf3: {  	v52 =	vor.u32 $0x1800, v0;
	v1 =	vld.idx.msk [tilespmem:v2+s20+$0x0], $0xffff  }
0xf4: {  	v2 =	vadd.s32 s7, v52;
	_ =	sdelay $0x3  }
0xf5: {  	s21 =	sshll.u32 s9, $0x7;
	[tilespmem:$0x2420] =	vst v1  }
0xf6: {  	v53 =	vor.u32 $0x2000, v0;
	s7 =	ssub.s32 s8, s21;
	v1 =	vld.idx.msk [tilespmem:v2+s20+$0x0], $0xffff  }
0xf7: {  	v2 =	vadd.s32 s7, v53;
	_ =	sdelay $0x3  }
0xf8: {  	[tilespmem:$0x2430] =	vst v1  }
0xf9: {  	v54 =	vor.u32 $0x2800, v0;
	v1 =	vld.idx.msk [tilespmem:v2+s20+$0x0], $0xffff  }
0xfa: {  	v2 =	vadd.s32 s7, v54;
	_ =	sdelay $0x3  }
0xfb: {  	[tilespmem:$0x2480] =	vst v1  }
0xfc: {  	v55 =	vor.u32 $0x3000, v0;
	v1 =	vld.idx.msk [tilespmem:v2+s20+$0x0], $0xffff  }
0xfd: {  	v2 =	vadd.s32 s7, v55;
	_ =	sdelay $0x3  }
0xfe: {  	[tilespmem:$0x2490] =	vst v1  }
0xff: {  	v56 =	vor.u32 $0x3800, v0;
	v1 =	vld.idx.msk [tilespmem:v2+s20+$0x0], $0xffff  }
0x100: {  	v2 =	vadd.s32 s7, v56;
	_ =	sdelay $0x3  }
0x101: {  	s22 =	sshll.u32 s14, $0x7;
	[tilespmem:$0x24A0] =	vst v1  }
0x102: {  	v57 =	vor.u32 $0x4000, v0;
	s7 =	ssub.s32 s13, s22;
	v1 =	vld.idx.msk [tilespmem:v2+s20+$0x0], $0xffff  }
0x103: {  	v2 =	vadd.s32 s7, v57;
	_ =	sdelay $0x3  }
0x104: {  	[tilespmem:$0x24B0] =	vst v1  }
0x105: {  	v58 =	vor.u32 $0x4800, v0;
	v1 =	vld.idx.msk [tilespmem:v2+s20+$0x0], $0xffff  }
0x106: {  	v2 =	vadd.s32 s7, v58;
	_ =	sdelay $0x3  }
0x107: {  	[tilespmem:$0x2500] =	vst v1  }
0x108: {  	v59 =	vor.u32 $0x5000, v0;
	v1 =	vld.idx.msk [tilespmem:v2+s20+$0x0], $0xffff  }
0x109: {  	v2 =	vadd.s32 s7, v59;
	_ =	sdelay $0x3  }
0x10a: {  	[tilespmem:$0x2510] =	vst v1  }
0x10b: {  	v60 =	vor.u32 $0x5800, v0;
	v1 =	vld.idx.msk [tilespmem:v2+s20+$0x0], $0xffff  }
0x10c: {  	v2 =	vadd.s32 s7, v60;
	_ =	sdelay $0x3  }
0x10d: {  	s23 =	sshll.u32 s15, $0x7;
	[tilespmem:$0x2520] =	vst v1  }
0x10e: {  	v61 =	vor.u32 $0x6000, v0;
	s7 =	ssub.s32 s25, s23;
	v1 =	vld.idx.msk [tilespmem:v2+s20+$0x0], $0xffff  }
0x10f: {  	v2 =	vadd.s32 s7, v61;
	_ =	sdelay $0x3  }
0x110: {  	[tilespmem:$0x2530] =	vst v1  }
0x111: {  	v62 =	vor.u32 $0x6800, v0;
	v1 =	vld.idx.msk [tilespmem:v2+s20+$0x0], $0xffff  }
0x112: {  	v2 =	vadd.s32 s7, v62;
	_ =	sdelay $0x3  }
0x113: {  	[tilespmem:$0x2580] =	vst v1  }
0x114: {  	v63 =	vor.u32 $0x7000, v0;
	v1 =	vld.idx.msk [tilespmem:v2+s20+$0x0], $0xffff  }
0x115: {  	v2 =	vadd.s32 s7, v63;
	_ =	sdelay $0x3  }
0x116: {  	[tilespmem:$0x2590] =	vst v1  }
0x117: {  	v0 =	vor.u32 $0x7800, v0;
	v1 =	vld.idx.msk [tilespmem:v2+s20+$0x0], $0xffff  }
0x118: {  	v0 =	vadd.s32 s7, v0;
	_ =	sdelay $0x3  }
0x119: {  	[tilespmem:$0x25A0] =	vst v1  }
0x11a: {  	v0 =	vld.idx.msk [tilespmem:v0+s20+$0x0], $0xffff  }
0x11b: {  	s24 =	sshrl.u32 s1, $0x1;
	s25 =	sshll.u32 s1, $0x9  }
0x11c: {  	s26 =	sshll.u32 s24, $0xB;
	s8 =	sand.u32 $0x200, s25  }
0x11d: {  	s6 =	sor.u32 s8, s26;
	s7 =	sshll.u32 s24, $0xA  }
0x11e: {  	s29 =	simm.s32 $0x200;
	s6 =	sshrl.u32 s6, $0x3;
	s28 =	sor.u32 s8, s7  }
0x11f: {  	s30 =	simm.s32 $0x2000;
	s3 =	sadd.s32 s3, s6;
	s6 =	sshrl.u32 s28, $0x3;
	[tilespmem:$0x25B0] =	vst v0  }
0x120: {  	[hbm4b:s3+s29] =	stream.strided.scatter [tilespmem:s30], [sflag:$0x1], $0x400, s12, s29, $0x38;
	[tilespmem:$0xA600] =	vst v63  }
0x121: {  	s31 =	simm.s32 $0x2400;
	s2 =	sadd.s32 s2, s6  }
0x122: {  	[hbm4b:s2+s11] =	stream.linear.scatter [tilespmem:s31], [sflag:$0x2], $0x200, $0x38;
	[tilespmem:$0xA600] =	vst v63  }
0x123: {  	_ =	swait.ge [sflag:s5], $0x400  }
0x124: {  	[sflag:s5] =	ssyncset.done $0x0  }
0x125: {  	[sflag:s5] =	ssyncadd.s32 $0xFFFFFC00  }
0x126: {  	_ =	swait.ge [sflag:s19], $0x200  }
0x127: {  	[sflag:s19] =	ssyncset.done $0x0  }
0x128: {  	[sflag:s19] =	ssyncadd.s32 $0xFFFFFE00  }
0x129: {  	_ =	sfence.sel $0x180000  }
0x12a: {  	[bflag:$0x0] =	sbarrier.arrive $0xFFFF  }
0x12b: {  	p0 =	sne.s32 s1, $0x0;
	_ =	strace $0x90000047  }
0x12c: {  	s0 =	sadd.s32 @!p0 $0x100000, s0;
	[bflag:$0x2] =	sbarrier.arrive $0xFFFF  }
0x12d: {  	[sflag:s0] =	ssyncadd.tile.s32 @!p0 $0x1;
	_ =	shalt  }
.Lfunc_end2:
_tile_overlayer_lowered:
.L_overlay_start_2:
0x12e: {  	(tag) =	ssettag $0x2  }
0x12f: {  	s0 =	rddreg [dreg:$0x0];
	s2 =	stileid.u32  }
0x130: {  	s1 =	rddreg [dreg:$0x1];
	p0 =	sne.s32 s2, $0x0  }
0x131: {  	s3 =	rddreg [dreg:$0x2];
	[bflag:$0x3] =	sbarrier.arrive $0xFFFF;
	s2 =	simm.s32 @!p0 $0x1C03  }
0x132: {  	[timem:s3], [sflag:s2] =	dma.local @!p0 [hbm:s0], s1  }
0x133: {  	s0 =	simm.s32 @!p0 $0x3  }
0x134: {  	_ =	swait.ge @!p0 [sflag:s0], s1  }
0x135: {  	s1 =	ssub.s32 @!p0 $0x0, s1;
	[sflag:s0] =	ssyncset.done @!p0 $0x0  }
0x136: {  	[sflag:s0] =	ssyncadd.s32 @!p0 s1  }
0x137: {  	[bflag:$0x3] =	sbarrier.arrive $0xFFFF  }
0x138: {  	_ =	shalt  }

</sc_bundles>
